<compile_context>
chip_gen: v7x
topology: tpu7x:2x2x1
jax: 0.10.2.dev20260603
libtpu: 0.0.44.dev20260713+nightly
codegen_flags: <defaults>
</compile_context>

<pallas_src>
import functools

import jax
import jax.numpy as jnp
from jax import lax
from jax.experimental import pallas as pl
from jax.experimental.pallas import tpu as pltpu
from jax.experimental.pallas import tpu_sc as plsc

N = 10000
E = 320000
D = 128
NC = 2
NS = 16
NW = NC * NS
CH = 128
NCHUNK = 80
EP = NW * NCHUNK * CH
NBUF = 2
IG = 8
NT = NCHUNK // IG
NP = 10240
RPS = NP // NS


def _make_agg():
    mesh = plsc.VectorSubcoreMesh(core_axis_name="c", subcore_axis_name="s")

    @functools.partial(
        pl.kernel,
        out_type=jax.ShapeDtypeStruct((NC, NP, D), jnp.float32),
        mesh=mesh,
        scratch_types=(
            [
                pltpu.VMEM((IG, CH), jnp.int32),
                pltpu.VMEM((IG, CH), jnp.int32),
                pltpu.VMEM_SHARED((NP, D), jnp.float32),
            ]
            + [pltpu.VMEM((CH, D), jnp.float32) for _ in range(NBUF)]
            + [pltpu.SemaphoreType.DMA for _ in range(2 * NBUF + 1)]
        ),
    )
    def agg(h_hbm, src_hbm, dst_hbm, zeros_hbm, out_hbm, sidx, didx, acc,
            *rest):
        rows = rest[:NBUF]
        gsem = rest[NBUF:2 * NBUF]
        ssem = rest[2 * NBUF:3 * NBUF]
        zsem = rest[3 * NBUF]
        cid = lax.axis_index("c")
        sid = lax.axis_index("s")
        wid = cid * NS + sid

        pltpu.async_copy(zeros_hbm, acc.at[pl.ds(sid * RPS, RPS)],
                         zsem).wait()
        plsc.subcore_barrier()

        def body(t, carry):
            r0 = wid * NCHUNK + t * IG
            pltpu.sync_copy(src_hbm.at[pl.ds(r0, IG)], sidx)
            pltpu.sync_copy(dst_hbm.at[pl.ds(r0, IG)], didx)
            gd = [None] * NBUF
            sd = [None] * NBUF
            for j in range(IG):
                b = j % NBUF
                if sd[b] is not None:
                    sd[b].wait()
                    sd[b] = None
                gd[b] = pltpu.async_copy(h_hbm.at[sidx.at[j]], rows[b],
                                         gsem[b])
                if j > 0:
                    b1 = (j - 1) % NBUF
                    gd[b1].wait()
                    sd[b1] = pltpu.async_copy(
                        rows[b1], acc.at[didx.at[j - 1]], ssem[b1], add=True)
            bl = (IG - 1) % NBUF
            gd[bl].wait()
            sd[bl] = pltpu.async_copy(
                rows[bl], acc.at[didx.at[IG - 1]], ssem[bl], add=True)
            for b in range(NBUF):
                if sd[b] is not None:
                    sd[b].wait()
            return carry

        lax.fori_loop(0, NT, body, 0)
        plsc.subcore_barrier()

        pltpu.sync_copy(acc.at[pl.ds(sid * RPS, RPS)],
                        out_hbm.at[cid, pl.ds(sid * RPS, RPS)])

    return agg


_agg = _make_agg()


def _mlp_body(apply_act, h_ref, p0_ref, p1_ref, w1_ref, b1_ref, w2_ref,
              b2_ref, o_ref):
    rst = h_ref[...] + p0_ref[0] + p1_ref[0]
    hh = jnp.dot(rst, w1_ref[...],
                 preferred_element_type=jnp.float32) + b1_ref[...]
    hh = jnp.maximum(hh, 0.0)
    out = jnp.dot(hh, w2_ref[...],
                  preferred_element_type=jnp.float32) + b2_ref[...]
    if apply_act:
        out = jnp.maximum(out, 0.0)
    o_ref[...] = out


BR = 1000


def _mlp(h, p, w1, b1, w2, b2, apply_act):
    return pl.pallas_call(
        functools.partial(_mlp_body, apply_act),
        grid=(N // BR,),
        in_specs=[
            pl.BlockSpec((BR, D), lambda i: (i, 0)),
            pl.BlockSpec((1, BR, D), lambda i: (0, i, 0)),
            pl.BlockSpec((1, BR, D), lambda i: (1, i, 0)),
            pl.BlockSpec((D, D), lambda i: (0, 0)),
            pl.BlockSpec((1, D), lambda i: (0, 0)),
            pl.BlockSpec((D, D), lambda i: (0, 0)),
            pl.BlockSpec((1, D), lambda i: (0, 0)),
        ],
        out_specs=pl.BlockSpec((BR, D), lambda i: (i, 0)),
        out_shape=jax.ShapeDtypeStruct((N, D), jnp.float32),
    )(h, p, p, w1, b1.reshape(1, D), w2, b2.reshape(1, D))


def kernel(x, edge_index, W1_0, b1_0, W2_0, b2_0, W1_1, b1_1, W2_1, b2_1):
    ei = edge_index.astype(jnp.int32)
    src = jnp.concatenate(
        [ei[0], jnp.zeros((EP - E,), jnp.int32)]).reshape(EP // CH, CH)
    dst = jnp.concatenate(
        [ei[1], jnp.full((EP - E,), NP - 1, jnp.int32)]).reshape(EP // CH, CH)
    zeros = jnp.zeros((RPS, D), jnp.float32)
    p = _agg(x, src, dst, zeros)
    h1 = _mlp(x, p, W1_0, b1_0, W2_0, b2_0, apply_act=True)
    p2 = _agg(h1, src, dst, zeros)
    return _mlp(h1, p2, W1_1, b1_1, W2_1, b2_1, apply_act=False)

# --- scband reference (transcript-rebuilt; emitter-appended) ---
"""Pipeline reference for scband-gin-51187420233783 (READ-ONLY COPY).

The authoritative reference and input builder live on the scoring server;
editing this copy changes nothing except your own understanding.
"""

import jax, jax.numpy as jnp
import numpy as np

N = 10000
E = 320000
D_IN = 128
D_HID = 128
D_OUT = 128
EPS = 0.0


def setup_inputs(seed: int = 0) -> dict:
    key = jax.random.key(seed)
    ks = jax.random.split(key, 12)
    x = jax.random.normal(ks[0], (N, D_IN), dtype=jnp.float32)
    edge_index = jax.random.randint(ks[1], (2, E), 0, N)
    s_in = 1.0 / np.sqrt(D_IN)
    s_hid = 1.0 / np.sqrt(D_HID)
    # GIN layer 0 MLP params (2-layer MLP: in->hid->hid)
    W1_0 = jax.random.normal(ks[2], (D_IN, D_HID), dtype=jnp.float32) * s_in
    b1_0 = jnp.zeros((D_HID,), dtype=jnp.float32)
    W2_0 = jax.random.normal(ks[3], (D_HID, D_HID), dtype=jnp.float32) * s_hid
    b2_0 = jnp.zeros((D_HID,), dtype=jnp.float32)
    # GIN layer 1 MLP params (2-layer MLP: hid->hid->out)
    W1_1 = jax.random.normal(ks[4], (D_HID, D_HID), dtype=jnp.float32) * s_hid
    b1_1 = jnp.zeros((D_HID,), dtype=jnp.float32)
    W2_1 = jax.random.normal(ks[5], (D_HID, D_OUT), dtype=jnp.float32) * s_hid
    b2_1 = jnp.zeros((D_OUT,), dtype=jnp.float32)
    return {"x": x, "edge_index": edge_index,
            "W1_0": W1_0, "b1_0": b1_0, "W2_0": W2_0, "b2_0": b2_0,
            "W1_1": W1_1, "b1_1": b1_1, "W2_1": W2_1, "b2_1": b2_1}


def _gin_layer(h, src, dst, W1, b1, W2, b2, apply_act):
    # message passing: copy_src + sum reducer (scatter-add to dst nodes)
    msgs = jnp.take(h, src, axis=0)
    neigh = jax.ops.segment_sum(msgs, dst, num_segments=N)
    # rst = (1 + eps) * feat_dst + neigh  (eps=0, not learned)
    rst = (1.0 + EPS) * h + neigh
    # apply_func: 2-layer MLP (relu between), norm='none' (identity), then layer activation
    hh = rst @ W1 + b1
    hh = jax.nn.relu(hh)
    hh = hh @ W2 + b2
    if apply_act:
        hh = jax.nn.relu(hh)
    return hh


def reference(x, edge_index, W1_0, b1_0, W2_0, b2_0, W1_1, b1_1, W2_1, b2_1):
    src = edge_index[0]
    dst = edge_index[1]
    # GIN layer 0: activation='relu'
    h = _gin_layer(x, src, dst, W1_0, b1_0, W2_0, b2_0, apply_act=True)
    # GIN layer 1 (last): activation='none'
    h = _gin_layer(h, src, dst, W1_1, b1_1, W2_1, b2_1, apply_act=False)
    return h

if __name__ == "__main__":
    import jax
    _d = setup_inputs()
    print(jax.jit(kernel)(*tuple(_d.values())))

</pallas_src>

<mosaic_0001>
#map = affine_map<(d0, d1) -> (0, 0)>
#map1 = affine_map<(d0, d1) -> (0, 0, 0)>
module attributes {stable_mosaic.version = 14 : i64} {
  func.func @agg(%arg0: i32, %arg1: i32, %arg2: memref<10000x128xf32, #tpu.memory_space<hbm>>, %arg3: memref<2560x128xi32, #tpu.memory_space<hbm>>, %arg4: memref<2560x128xi32, #tpu.memory_space<hbm>>, %arg5: memref<640x128xf32, #tpu.memory_space<hbm>>, %arg6: memref<2x10240x128xf32, #tpu.memory_space<hbm>>, %arg7: memref<8x128xi32, #tpu.memory_space<vmem>>, %arg8: memref<8x128xi32, #tpu.memory_space<vmem>>, %arg9: memref<10240x128xf32, #tpu.memory_space<vmem_shared>>, %arg10: memref<128x128xf32, #tpu.memory_space<vmem>>, %arg11: memref<128x128xf32, #tpu.memory_space<vmem>>, %arg12: memref<!tpu.dma_semaphore, #tpu.memory_space<semaphore_mem>>, %arg13: memref<!tpu.dma_semaphore, #tpu.memory_space<semaphore_mem>>, %arg14: memref<!tpu.dma_semaphore, #tpu.memory_space<semaphore_mem>>, %arg15: memref<!tpu.dma_semaphore, #tpu.memory_space<semaphore_mem>>, %arg16: memref<!tpu.dma_semaphore, #tpu.memory_space<semaphore_mem>>) attributes {dimension_semantics = [#tpu.dimension_semantics<core_parallel>, #tpu.dimension_semantics<subcore_parallel>], iteration_bounds = array<i64: 2, 16>, scalar_prefetch = 0 : i64, scratch_operands = 10 : i64, tpu.core_type = #tpu.core_type<sc_vector_subcore>, window_params = [{transform_indices = #map}, {transform_indices = #map}, {transform_indices = #map}, {transform_indices = #map}, {transform_indices = #map1}]} {
    %mul3A = arith.constant 16 : i32
    %mul3A_0 = arith.muli %arg0, %mul3A : i32
    %add3A = arith.addi %mul3A_0, %arg1 : i32
    %mul3A_1 = arith.constant 640 : i32
    %mul3A_2 = arith.muli %arg1, %mul3A_1 : i32
    %dma_start3A = arith.constant 0 : i32
    %dma_start3A_3 = tpu.memref_slice %arg9[%mul3A_2, %dma_start3A] : memref<10240x128xf32, #tpu.memory_space<vmem_shared>> -> memref<640x128xf32, #tpu.memory_space<vmem_shared>>
    tpu.enqueue_dma source(%arg5 : memref<640x128xf32, #tpu.memory_space<hbm>>) target(%dma_start3A_3 : memref<640x128xf32, #tpu.memory_space<vmem_shared>>) target_semaphore(%arg16 : memref<!tpu.dma_semaphore, #tpu.memory_space<semaphore_mem>>)
    %dma_wait3A = arith.constant 0 : i32
    %dma_wait3A_4 = tpu.memref_slice %arg9[%mul3A_2, %dma_wait3A] : memref<10240x128xf32, #tpu.memory_space<vmem_shared>> -> memref<640x128xf32, #tpu.memory_space<vmem_shared>>
    tpu.wait_dma2 semaphore(%arg16 : memref<!tpu.dma_semaphore, #tpu.memory_space<semaphore_mem>>) src(%arg5 : memref<640x128xf32, #tpu.memory_space<hbm>>) dst(%dma_wait3A_4 : memref<640x128xf32, #tpu.memory_space<vmem_shared>>)
    %barrier3A = arith.constant 0 : index
    tpu.barrier barrier_id(%barrier3A)
    %scan3A = arith.constant 0 : i32
    %scan3A_5 = arith.constant 0 : i32
    %scan3A_6 = arith.constant 10 : i32
    %scan3A_7 = arith.addi %scan3A_5, %scan3A_6 : i32
    %scan3A_8 = arith.constant 1 : i32
    scf.for %scan3A_15 = %scan3A_5 to %scan3A_7 step %scan3A_8  : i32 {
      %mul3A_16 = arith.constant 80 : i32
      %mul3A_17 = arith.muli %add3A, %mul3A_16 : i32
      %mul3A_18 = arith.constant 8 : i32
      %mul3A_19 = arith.muli %scan3A_15, %mul3A_18 : i32
      %add3A_20 = arith.addi %mul3A_17, %mul3A_19 : i32
      "tpu.region"() ({
        %run_scoped3A = tpu.sem_alloc : memref<!tpu.dma_semaphore, #tpu.memory_space<semaphore_mem>>
        %dma_start3A_245 = arith.constant 0 : i32
        %dma_start3A_246 = tpu.memref_slice %arg3[%add3A_20, %dma_start3A_245] : memref<2560x128xi32, #tpu.memory_space<hbm>> -> memref<8x128xi32, #tpu.memory_space<hbm>>
        %dma_start3A_247 = arith.constant 0 : i32
        %dma_start3A_248 = tpu.memref_slice %arg3[%add3A_20, %dma_start3A_247] : memref<2560x128xi32, #tpu.memory_space<hbm>> -> memref<8x128xi32, #tpu.memory_space<hbm>>
        tpu.enqueue_dma source(%dma_start3A_248 : memref<8x128xi32, #tpu.memory_space<hbm>>) target(%arg7 : memref<8x128xi32, #tpu.memory_space<vmem>>) target_semaphore(%run_scoped3A : memref<!tpu.dma_semaphore, #tpu.memory_space<semaphore_mem>>)
        %dma_wait3A_249 = arith.constant 0 : i32
        %dma_wait3A_250 = tpu.memref_slice %arg3[%add3A_20, %dma_wait3A_249] : memref<2560x128xi32, #tpu.memory_space<hbm>> -> memref<8x128xi32, #tpu.memory_space<hbm>>
        %dma_wait3A_251 = arith.constant 0 : i32
        %dma_wait3A_252 = tpu.memref_slice %arg3[%add3A_20, %dma_wait3A_251] : memref<2560x128xi32, #tpu.memory_space<hbm>> -> memref<8x128xi32, #tpu.memory_space<hbm>>
        tpu.wait_dma2 semaphore(%run_scoped3A : memref<!tpu.dma_semaphore, #tpu.memory_space<semaphore_mem>>) src(%dma_wait3A_252 : memref<8x128xi32, #tpu.memory_space<hbm>>) dst(%arg7 : memref<8x128xi32, #tpu.memory_space<vmem>>)
        tpu.yield
      }) : () -> ()
      "tpu.region"() ({
        %run_scoped3A = tpu.sem_alloc : memref<!tpu.dma_semaphore, #tpu.memory_space<semaphore_mem>>
        %dma_start3A_245 = arith.constant 0 : i32
        %dma_start3A_246 = tpu.memref_slice %arg4[%add3A_20, %dma_start3A_245] : memref<2560x128xi32, #tpu.memory_space<hbm>> -> memref<8x128xi32, #tpu.memory_space<hbm>>
        %dma_start3A_247 = arith.constant 0 : i32
        %dma_start3A_248 = tpu.memref_slice %arg4[%add3A_20, %dma_start3A_247] : memref<2560x128xi32, #tpu.memory_space<hbm>> -> memref<8x128xi32, #tpu.memory_space<hbm>>
        tpu.enqueue_dma source(%dma_start3A_248 : memref<8x128xi32, #tpu.memory_space<hbm>>) target(%arg8 : memref<8x128xi32, #tpu.memory_space<vmem>>) target_semaphore(%run_scoped3A : memref<!tpu.dma_semaphore, #tpu.memory_space<semaphore_mem>>)
        %dma_wait3A_249 = arith.constant 0 : i32
        %dma_wait3A_250 = tpu.memref_slice %arg4[%add3A_20, %dma_wait3A_249] : memref<2560x128xi32, #tpu.memory_space<hbm>> -> memref<8x128xi32, #tpu.memory_space<hbm>>
        %dma_wait3A_251 = arith.constant 0 : i32
        %dma_wait3A_252 = tpu.memref_slice %arg4[%add3A_20, %dma_wait3A_251] : memref<2560x128xi32, #tpu.memory_space<hbm>> -> memref<8x128xi32, #tpu.memory_space<hbm>>
        tpu.wait_dma2 semaphore(%run_scoped3A : memref<!tpu.dma_semaphore, #tpu.memory_space<semaphore_mem>>) src(%dma_wait3A_252 : memref<8x128xi32, #tpu.memory_space<hbm>>) dst(%arg8 : memref<8x128xi32, #tpu.memory_space<vmem>>)
        tpu.yield
      }) : () -> ()
      %dma_start3A_21 = arith.constant 0 : i32
      %dma_start3A_22 = arith.constant 0 : i32
      %dma_start3A_23 = tpu.memref_slice %arg7[%dma_start3A_21, %dma_start3A_22] : memref<8x128xi32, #tpu.memory_space<vmem>> -> memref<1x128xi32, #tpu.memory_space<vmem>>
      %dma_start3A_24 = tpu.memref_squeeze %dma_start3A_23 : memref<1x128xi32, #tpu.memory_space<vmem>> -> memref<128xi32, #tpu.memory_space<vmem>>
      %dma_start3A_25 = arith.constant 0 : i32
      %dma_start3A_26 = arith.constant 0 : i32
      %dma_start3A_27 = tpu.memref_slice %arg2[%dma_start3A_25, %dma_start3A_26] : memref<10000x128xf32, #tpu.memory_space<hbm>> -> memref<10000x128xf32, #tpu.memory_space<hbm>>
      tpu.enqueue_indirect_dma source(%dma_start3A_27 : memref<10000x128xf32, #tpu.memory_space<hbm>>) target(%arg10 : memref<128x128xf32, #tpu.memory_space<vmem>>) offsets(%dma_start3A_24 : memref<128xi32, #tpu.memory_space<vmem>>) semaphore(%arg12 : memref<!tpu.dma_semaphore, #tpu.memory_space<semaphore_mem>>)
      %dma_start3A_28 = arith.constant 1 : i32
      %dma_start3A_29 = arith.constant 0 : i32
      %dma_start3A_30 = tpu.memref_slice %arg7[%dma_start3A_28, %dma_start3A_29] : memref<8x128xi32, #tpu.memory_space<vmem>> -> memref<1x128xi32, #tpu.memory_space<vmem>>
      %dma_start3A_31 = tpu.memref_squeeze %dma_start3A_30 : memref<1x128xi32, #tpu.memory_space<vmem>> -> memref<128xi32, #tpu.memory_space<vmem>>
      %dma_start3A_32 = arith.constant 0 : i32
      %dma_start3A_33 = arith.constant 0 : i32
      %dma_start3A_34 = tpu.memref_slice %arg2[%dma_start3A_32, %dma_start3A_33] : memref<10000x128xf32, #tpu.memory_space<hbm>> -> memref<10000x128xf32, #tpu.memory_space<hbm>>
      tpu.enqueue_indirect_dma source(%dma_start3A_34 : memref<10000x128xf32, #tpu.memory_space<hbm>>) target(%arg11 : memref<128x128xf32, #tpu.memory_space<vmem>>) offsets(%dma_start3A_31 : memref<128xi32, #tpu.memory_space<vmem>>) semaphore(%arg13 : memref<!tpu.dma_semaphore, #tpu.memory_space<semaphore_mem>>)
      %dma_wait3A_35 = arith.constant 0 : i32
      %dma_wait3A_36 = arith.constant 0 : i32
      %dma_wait3A_37 = tpu.memref_slice %arg7[%dma_wait3A_35, %dma_wait3A_36] : memref<8x128xi32, #tpu.memory_space<vmem>> -> memref<1x128xi32, #tpu.memory_space<vmem>>
      %dma_wait3A_38 = tpu.memref_squeeze %dma_wait3A_37 : memref<1x128xi32, #tpu.memory_space<vmem>> -> memref<128xi32, #tpu.memory_space<vmem>>
      %dma_wait3A_39 = arith.constant 0 : i32
      %dma_wait3A_40 = arith.constant 0 : i32
      %dma_wait3A_41 = tpu.memref_slice %arg2[%dma_wait3A_39, %dma_wait3A_40] : memref<10000x128xf32, #tpu.memory_space<hbm>> -> memref<10000x128xf32, #tpu.memory_space<hbm>>
      tpu.wait_indirect_dma semaphore(%arg12 : memref<!tpu.dma_semaphore, #tpu.memory_space<semaphore_mem>>) src(%dma_wait3A_41 : memref<10000x128xf32, #tpu.memory_space<hbm>>) dst(%arg10 : memref<128x128xf32, #tpu.memory_space<vmem>>)
      %dma_start3A_42 = arith.constant 0 : i32
      %dma_start3A_43 = arith.constant 0 : i32
      %dma_start3A_44 = tpu.memref_slice %arg8[%dma_start3A_42, %dma_start3A_43] : memref<8x128xi32, #tpu.memory_space<vmem>> -> memref<1x128xi32, #tpu.memory_space<vmem>>
      %dma_start3A_45 = tpu.memref_squeeze %dma_start3A_44 : memref<1x128xi32, #tpu.memory_space<vmem>> -> memref<128xi32, #tpu.memory_space<vmem>>
      %dma_start3A_46 = arith.constant 0 : i32
      %dma_start3A_47 = arith.constant 0 : i32
      %dma_start3A_48 = tpu.memref_slice %arg9[%dma_start3A_46, %dma_start3A_47] : memref<10240x128xf32, #tpu.memory_space<vmem_shared>> -> memref<10240x128xf32, #tpu.memory_space<vmem_shared>>
      tpu.enqueue_indirect_dma source(%arg10 : memref<128x128xf32, #tpu.memory_space<vmem>>) target(%dma_start3A_48 : memref<10240x128xf32, #tpu.memory_space<vmem_shared>>) offsets(%dma_start3A_45 : memref<128xi32, #tpu.memory_space<vmem>>) semaphore(%arg14 : memref<!tpu.dma_semaphore, #tpu.memory_space<semaphore_mem>>) {add = true}
      %dma_wait3A_49 = arith.constant 0 : i32
      %dma_wait3A_50 = arith.constant 0 : i32
      %dma_wait3A_51 = tpu.memref_slice %arg8[%dma_wait3A_49, %dma_wait3A_50] : memref<8x128xi32, #tpu.memory_space<vmem>> -> memref<1x128xi32, #tpu.memory_space<vmem>>
      %dma_wait3A_52 = tpu.memref_squeeze %dma_wait3A_51 : memref<1x128xi32, #tpu.memory_space<vmem>> -> memref<128xi32, #tpu.memory_space<vmem>>
      %dma_wait3A_53 = arith.constant 0 : i32
      %dma_wait3A_54 = arith.constant 0 : i32
      %dma_wait3A_55 = tpu.memref_slice %arg9[%dma_wait3A_53, %dma_wait3A_54] : memref<10240x128xf32, #tpu.memory_space<vmem_shared>> -> memref<10240x128xf32, #tpu.memory_space<vmem_shared>>
      tpu.wait_indirect_dma semaphore(%arg14 : memref<!tpu.dma_semaphore, #tpu.memory_space<semaphore_mem>>) src(%arg10 : memref<128x128xf32, #tpu.memory_space<vmem>>) dst(%dma_wait3A_55 : memref<10240x128xf32, #tpu.memory_space<vmem_shared>>)
      %dma_start3A_56 = arith.constant 2 : i32
      %dma_start3A_57 = arith.constant 0 : i32
      %dma_start3A_58 = tpu.memref_slice %arg7[%dma_start3A_56, %dma_start3A_57] : memref<8x128xi32, #tpu.memory_space<vmem>> -> memref<1x128xi32, #tpu.memory_space<vmem>>
      %dma_start3A_59 = tpu.memref_squeeze %dma_start3A_58 : memref<1x128xi32, #tpu.memory_space<vmem>> -> memref<128xi32, #tpu.memory_space<vmem>>
      %dma_start3A_60 = arith.constant 0 : i32
      %dma_start3A_61 = arith.constant 0 : i32
      %dma_start3A_62 = tpu.memref_slice %arg2[%dma_start3A_60, %dma_start3A_61] : memref<10000x128xf32, #tpu.memory_space<hbm>> -> memref<10000x128xf32, #tpu.memory_space<hbm>>
      tpu.enqueue_indirect_dma source(%dma_start3A_62 : memref<10000x128xf32, #tpu.memory_space<hbm>>) target(%arg10 : memref<128x128xf32, #tpu.memory_space<vmem>>) offsets(%dma_start3A_59 : memref<128xi32, #tpu.memory_space<vmem>>) semaphore(%arg12 : memref<!tpu.dma_semaphore, #tpu.memory_space<semaphore_mem>>)
      %dma_wait3A_63 = arith.constant 1 : i32
      %dma_wait3A_64 = arith.constant 0 : i32
      %dma_wait3A_65 = tpu.memref_slice %arg7[%dma_wait3A_63, %dma_wait3A_64] : memref<8x128xi32, #tpu.memory_space<vmem>> -> memref<1x128xi32, #tpu.memory_space<vmem>>
      %dma_wait3A_66 = tpu.memref_squeeze %dma_wait3A_65 : memref<1x128xi32, #tpu.memory_space<vmem>> -> memref<128xi32, #tpu.memory_space<vmem>>
      %dma_wait3A_67 = arith.constant 0 : i32
      %dma_wait3A_68 = arith.constant 0 : i32
      %dma_wait3A_69 = tpu.memref_slice %arg2[%dma_wait3A_67, %dma_wait3A_68] : memref<10000x128xf32, #tpu.memory_space<hbm>> -> memref<10000x128xf32, #tpu.memory_space<hbm>>
      tpu.wait_indirect_dma semaphore(%arg13 : memref<!tpu.dma_semaphore, #tpu.memory_space<semaphore_mem>>) src(%dma_wait3A_69 : memref<10000x128xf32, #tpu.memory_space<hbm>>) dst(%arg11 : memref<128x128xf32, #tpu.memory_space<vmem>>)
      %dma_start3A_70 = arith.constant 1 : i32
      %dma_start3A_71 = arith.constant 0 : i32
      %dma_start3A_72 = tpu.memref_slice %arg8[%dma_start3A_70, %dma_start3A_71] : memref<8x128xi32, #tpu.memory_space<vmem>> -> memref<1x128xi32, #tpu.memory_space<vmem>>
      %dma_start3A_73 = tpu.memref_squeeze %dma_start3A_72 : memref<1x128xi32, #tpu.memory_space<vmem>> -> memref<128xi32, #tpu.memory_space<vmem>>
      %dma_start3A_74 = arith.constant 0 : i32
      %dma_start3A_75 = arith.constant 0 : i32
      %dma_start3A_76 = tpu.memref_slice %arg9[%dma_start3A_74, %dma_start3A_75] : memref<10240x128xf32, #tpu.memory_space<vmem_shared>> -> memref<10240x128xf32, #tpu.memory_space<vmem_shared>>
      tpu.enqueue_indirect_dma source(%arg11 : memref<128x128xf32, #tpu.memory_space<vmem>>) target(%dma_start3A_76 : memref<10240x128xf32, #tpu.memory_space<vmem_shared>>) offsets(%dma_start3A_73 : memref<128xi32, #tpu.memory_space<vmem>>) semaphore(%arg15 : memref<!tpu.dma_semaphore, #tpu.memory_space<semaphore_mem>>) {add = true}
      %dma_wait3A_77 = arith.constant 1 : i32
      %dma_wait3A_78 = arith.constant 0 : i32
      %dma_wait3A_79 = tpu.memref_slice %arg8[%dma_wait3A_77, %dma_wait3A_78] : memref<8x128xi32, #tpu.memory_space<vmem>> -> memref<1x128xi32, #tpu.memory_space<vmem>>
      %dma_wait3A_80 = tpu.memref_squeeze %dma_wait3A_79 : memref<1x128xi32, #tpu.memory_space<vmem>> -> memref<128xi32, #tpu.memory_space<vmem>>
      %dma_wait3A_81 = arith.constant 0 : i32
      %dma_wait3A_82 = arith.constant 0 : i32
      %dma_wait3A_83 = tpu.memref_slice %arg9[%dma_wait3A_81, %dma_wait3A_82] : memref<10240x128xf32, #tpu.memory_space<vmem_shared>> -> memref<10240x128xf32, #tpu.memory_space<vmem_shared>>
      tpu.wait_indirect_dma semaphore(%arg15 : memref<!tpu.dma_semaphore, #tpu.memory_space<semaphore_mem>>) src(%arg11 : memref<128x128xf32, #tpu.memory_space<vmem>>) dst(%dma_wait3A_83 : memref<10240x128xf32, #tpu.memory_space<vmem_shared>>)
      %dma_start3A_84 = arith.constant 3 : i32
      %dma_start3A_85 = arith.constant 0 : i32
      %dma_start3A_86 = tpu.memref_slice %arg7[%dma_start3A_84, %dma_start3A_85] : memref<8x128xi32, #tpu.memory_space<vmem>> -> memref<1x128xi32, #tpu.memory_space<vmem>>
      %dma_start3A_87 = tpu.memref_squeeze %dma_start3A_86 : memref<1x128xi32, #tpu.memory_space<vmem>> -> memref<128xi32, #tpu.memory_space<vmem>>
      %dma_start3A_88 = arith.constant 0 : i32
      %dma_start3A_89 = arith.constant 0 : i32
      %dma_start3A_90 = tpu.memref_slice %arg2[%dma_start3A_88, %dma_start3A_89] : memref<10000x128xf32, #tpu.memory_space<hbm>> -> memref<10000x128xf32, #tpu.memory_space<hbm>>
      tpu.enqueue_indirect_dma source(%dma_start3A_90 : memref<10000x128xf32, #tpu.memory_space<hbm>>) target(%arg11 : memref<128x128xf32, #tpu.memory_space<vmem>>) offsets(%dma_start3A_87 : memref<128xi32, #tpu.memory_space<vmem>>) semaphore(%arg13 : memref<!tpu.dma_semaphore, #tpu.memory_space<semaphore_mem>>)
      %dma_wait3A_91 = arith.constant 2 : i32
      %dma_wait3A_92 = arith.constant 0 : i32
      %dma_wait3A_93 = tpu.memref_slice %arg7[%dma_wait3A_91, %dma_wait3A_92] : memref<8x128xi32, #tpu.memory_space<vmem>> -> memref<1x128xi32, #tpu.memory_space<vmem>>
      %dma_wait3A_94 = tpu.memref_squeeze %dma_wait3A_93 : memref<1x128xi32, #tpu.memory_space<vmem>> -> memref<128xi32, #tpu.memory_space<vmem>>
      %dma_wait3A_95 = arith.constant 0 : i32
      %dma_wait3A_96 = arith.constant 0 : i32
      %dma_wait3A_97 = tpu.memref_slice %arg2[%dma_wait3A_95, %dma_wait3A_96] : memref<10000x128xf32, #tpu.memory_space<hbm>> -> memref<10000x128xf32, #tpu.memory_space<hbm>>
      tpu.wait_indirect_dma semaphore(%arg12 : memref<!tpu.dma_semaphore, #tpu.memory_space<semaphore_mem>>) src(%dma_wait3A_97 : memref<10000x128xf32, #tpu.memory_space<hbm>>) dst(%arg10 : memref<128x128xf32, #tpu.memory_space<vmem>>)
      %dma_start3A_98 = arith.constant 2 : i32
      %dma_start3A_99 = arith.constant 0 : i32
      %dma_start3A_100 = tpu.memref_slice %arg8[%dma_start3A_98, %dma_start3A_99] : memref<8x128xi32, #tpu.memory_space<vmem>> -> memref<1x128xi32, #tpu.memory_space<vmem>>
      %dma_start3A_101 = tpu.memref_squeeze %dma_start3A_100 : memref<1x128xi32, #tpu.memory_space<vmem>> -> memref<128xi32, #tpu.memory_space<vmem>>
      %dma_start3A_102 = arith.constant 0 : i32
      %dma_start3A_103 = arith.constant 0 : i32
      %dma_start3A_104 = tpu.memref_slice %arg9[%dma_start3A_102, %dma_start3A_103] : memref<10240x128xf32, #tpu.memory_space<vmem_shared>> -> memref<10240x128xf32, #tpu.memory_space<vmem_shared>>
      tpu.enqueue_indirect_dma source(%arg10 : memref<128x128xf32, #tpu.memory_space<vmem>>) target(%dma_start3A_104 : memref<10240x128xf32, #tpu.memory_space<vmem_shared>>) offsets(%dma_start3A_101 : memref<128xi32, #tpu.memory_space<vmem>>) semaphore(%arg14 : memref<!tpu.dma_semaphore, #tpu.memory_space<semaphore_mem>>) {add = true}
      %dma_wait3A_105 = arith.constant 2 : i32
      %dma_wait3A_106 = arith.constant 0 : i32
      %dma_wait3A_107 = tpu.memref_slice %arg8[%dma_wait3A_105, %dma_wait3A_106] : memref<8x128xi32, #tpu.memory_space<vmem>> -> memref<1x128xi32, #tpu.memory_space<vmem>>
      %dma_wait3A_108 = tpu.memref_squeeze %dma_wait3A_107 : memref<1x128xi32, #tpu.memory_space<vmem>> -> memref<128xi32, #tpu.memory_space<vmem>>
      %dma_wait3A_109 = arith.constant 0 : i32
      %dma_wait3A_110 = arith.constant 0 : i32
      %dma_wait3A_111 = tpu.memref_slice %arg9[%dma_wait3A_109, %dma_wait3A_110] : memref<10240x128xf32, #tpu.memory_space<vmem_shared>> -> memref<10240x128xf32, #tpu.memory_space<vmem_shared>>
      tpu.wait_indirect_dma semaphore(%arg14 : memref<!tpu.dma_semaphore, #tpu.memory_space<semaphore_mem>>) src(%arg10 : memref<128x128xf32, #tpu.memory_space<vmem>>) dst(%dma_wait3A_111 : memref<10240x128xf32, #tpu.memory_space<vmem_shared>>)
      %dma_start3A_112 = arith.constant 4 : i32
      %dma_start3A_113 = arith.constant 0 : i32
      %dma_start3A_114 = tpu.memref_slice %arg7[%dma_start3A_112, %dma_start3A_113] : memref<8x128xi32, #tpu.memory_space<vmem>> -> memref<1x128xi32, #tpu.memory_space<vmem>>
      %dma_start3A_115 = tpu.memref_squeeze %dma_start3A_114 : memref<1x128xi32, #tpu.memory_space<vmem>> -> memref<128xi32, #tpu.memory_space<vmem>>
      %dma_start3A_116 = arith.constant 0 : i32
      %dma_start3A_117 = arith.constant 0 : i32
      %dma_start3A_118 = tpu.memref_slice %arg2[%dma_start3A_116, %dma_start3A_117] : memref<10000x128xf32, #tpu.memory_space<hbm>> -> memref<10000x128xf32, #tpu.memory_space<hbm>>
      tpu.enqueue_indirect_dma source(%dma_start3A_118 : memref<10000x128xf32, #tpu.memory_space<hbm>>) target(%arg10 : memref<128x128xf32, #tpu.memory_space<vmem>>) offsets(%dma_start3A_115 : memref<128xi32, #tpu.memory_space<vmem>>) semaphore(%arg12 : memref<!tpu.dma_semaphore, #tpu.memory_space<semaphore_mem>>)
      %dma_wait3A_119 = arith.constant 3 : i32
      %dma_wait3A_120 = arith.constant 0 : i32
      %dma_wait3A_121 = tpu.memref_slice %arg7[%dma_wait3A_119, %dma_wait3A_120] : memref<8x128xi32, #tpu.memory_space<vmem>> -> memref<1x128xi32, #tpu.memory_space<vmem>>
      %dma_wait3A_122 = tpu.memref_squeeze %dma_wait3A_121 : memref<1x128xi32, #tpu.memory_space<vmem>> -> memref<128xi32, #tpu.memory_space<vmem>>
      %dma_wait3A_123 = arith.constant 0 : i32
      %dma_wait3A_124 = arith.constant 0 : i32
      %dma_wait3A_125 = tpu.memref_slice %arg2[%dma_wait3A_123, %dma_wait3A_124] : memref<10000x128xf32, #tpu.memory_space<hbm>> -> memref<10000x128xf32, #tpu.memory_space<hbm>>
      tpu.wait_indirect_dma semaphore(%arg13 : memref<!tpu.dma_semaphore, #tpu.memory_space<semaphore_mem>>) src(%dma_wait3A_125 : memref<10000x128xf32, #tpu.memory_space<hbm>>) dst(%arg11 : memref<128x128xf32, #tpu.memory_space<vmem>>)
      %dma_start3A_126 = arith.constant 3 : i32
      %dma_start3A_127 = arith.constant 0 : i32
      %dma_start3A_128 = tpu.memref_slice %arg8[%dma_start3A_126, %dma_start3A_127] : memref<8x128xi32, #tpu.memory_space<vmem>> -> memref<1x128xi32, #tpu.memory_space<vmem>>
      %dma_start3A_129 = tpu.memref_squeeze %dma_start3A_128 : memref<1x128xi32, #tpu.memory_space<vmem>> -> memref<128xi32, #tpu.memory_space<vmem>>
      %dma_start3A_130 = arith.constant 0 : i32
      %dma_start3A_131 = arith.constant 0 : i32
      %dma_start3A_132 = tpu.memref_slice %arg9[%dma_start3A_130, %dma_start3A_131] : memref<10240x128xf32, #tpu.memory_space<vmem_shared>> -> memref<10240x128xf32, #tpu.memory_space<vmem_shared>>
      tpu.enqueue_indirect_dma source(%arg11 : memref<128x128xf32, #tpu.memory_space<vmem>>) target(%dma_start3A_132 : memref<10240x128xf32, #tpu.memory_space<vmem_shared>>) offsets(%dma_start3A_129 : memref<128xi32, #tpu.memory_space<vmem>>) semaphore(%arg15 : memref<!tpu.dma_semaphore, #tpu.memory_space<semaphore_mem>>) {add = true}
      %dma_wait3A_133 = arith.constant 3 : i32
      %dma_wait3A_134 = arith.constant 0 : i32
      %dma_wait3A_135 = tpu.memref_slice %arg8[%dma_wait3A_133, %dma_wait3A_134] : memref<8x128xi32, #tpu.memory_space<vmem>> -> memref<1x128xi32, #tpu.memory_space<vmem>>
      %dma_wait3A_136 = tpu.memref_squeeze %dma_wait3A_135 : memref<1x128xi32, #tpu.memory_space<vmem>> -> memref<128xi32, #tpu.memory_space<vmem>>
      %dma_wait3A_137 = arith.constant 0 : i32
      %dma_wait3A_138 = arith.constant 0 : i32
      %dma_wait3A_139 = tpu.memref_slice %arg9[%dma_wait3A_137, %dma_wait3A_138] : memref<10240x128xf32, #tpu.memory_space<vmem_shared>> -> memref<10240x128xf32, #tpu.memory_space<vmem_shared>>
      tpu.wait_indirect_dma semaphore(%arg15 : memref<!tpu.dma_semaphore, #tpu.memory_space<semaphore_mem>>) src(%arg11 : memref<128x128xf32, #tpu.memory_space<vmem>>) dst(%dma_wait3A_139 : memref<10240x128xf32, #tpu.memory_space<vmem_shared>>)
      %dma_start3A_140 = arith.constant 5 : i32
      %dma_start3A_141 = arith.constant 0 : i32
      %dma_start3A_142 = tpu.memref_slice %arg7[%dma_start3A_140, %dma_start3A_141] : memref<8x128xi32, #tpu.memory_space<vmem>> -> memref<1x128xi32, #tpu.memory_space<vmem>>
      %dma_start3A_143 = tpu.memref_squeeze %dma_start3A_142 : memref<1x128xi32, #tpu.memory_space<vmem>> -> memref<128xi32, #tpu.memory_space<vmem>>
      %dma_start3A_144 = arith.constant 0 : i32
      %dma_start3A_145 = arith.constant 0 : i32
      %dma_start3A_146 = tpu.memref_slice %arg2[%dma_start3A_144, %dma_start3A_145] : memref<10000x128xf32, #tpu.memory_space<hbm>> -> memref<10000x128xf32, #tpu.memory_space<hbm>>
      tpu.enqueue_indirect_dma source(%dma_start3A_146 : memref<10000x128xf32, #tpu.memory_space<hbm>>) target(%arg11 : memref<128x128xf32, #tpu.memory_space<vmem>>) offsets(%dma_start3A_143 : memref<128xi32, #tpu.memory_space<vmem>>) semaphore(%arg13 : memref<!tpu.dma_semaphore, #tpu.memory_space<semaphore_mem>>)
      %dma_wait3A_147 = arith.constant 4 : i32
      %dma_wait3A_148 = arith.constant 0 : i32
      %dma_wait3A_149 = tpu.memref_slice %arg7[%dma_wait3A_147, %dma_wait3A_148] : memref<8x128xi32, #tpu.memory_space<vmem>> -> memref<1x128xi32, #tpu.memory_space<vmem>>
      %dma_wait3A_150 = tpu.memref_squeeze %dma_wait3A_149 : memref<1x128xi32, #tpu.memory_space<vmem>> -> memref<128xi32, #tpu.memory_space<vmem>>
      %dma_wait3A_151 = arith.constant 0 : i32
      %dma_wait3A_152 = arith.constant 0 : i32
      %dma_wait3A_153 = tpu.memref_slice %arg2[%dma_wait3A_151, %dma_wait3A_152] : memref<10000x128xf32, #tpu.memory_space<hbm>> -> memref<10000x128xf32, #tpu.memory_space<hbm>>
      tpu.wait_indirect_dma semaphore(%arg12 : memref<!tpu.dma_semaphore, #tpu.memory_space<semaphore_mem>>) src(%dma_wait3A_153 : memref<10000x128xf32, #tpu.memory_space<hbm>>) dst(%arg10 : memref<128x128xf32, #tpu.memory_space<vmem>>)
      %dma_start3A_154 = arith.constant 4 : i32
      %dma_start3A_155 = arith.constant 0 : i32
      %dma_start3A_156 = tpu.memref_slice %arg8[%dma_start3A_154, %dma_start3A_155] : memref<8x128xi32, #tpu.memory_space<vmem>> -> memref<1x128xi32, #tpu.memory_space<vmem>>
      %dma_start3A_157 = tpu.memref_squeeze %dma_start3A_156 : memref<1x128xi32, #tpu.memory_space<vmem>> -> memref<128xi32, #tpu.memory_space<vmem>>
      %dma_start3A_158 = arith.constant 0 : i32
      %dma_start3A_159 = arith.constant 0 : i32
      %dma_start3A_160 = tpu.memref_slice %arg9[%dma_start3A_158, %dma_start3A_159] : memref<10240x128xf32, #tpu.memory_space<vmem_shared>> -> memref<10240x128xf32, #tpu.memory_space<vmem_shared>>
      tpu.enqueue_indirect_dma source(%arg10 : memref<128x128xf32, #tpu.memory_space<vmem>>) target(%dma_start3A_160 : memref<10240x128xf32, #tpu.memory_space<vmem_shared>>) offsets(%dma_start3A_157 : memref<128xi32, #tpu.memory_space<vmem>>) semaphore(%arg14 : memref<!tpu.dma_semaphore, #tpu.memory_space<semaphore_mem>>) {add = true}
      %dma_wait3A_161 = arith.constant 4 : i32
      %dma_wait3A_162 = arith.constant 0 : i32
      %dma_wait3A_163 = tpu.memref_slice %arg8[%dma_wait3A_161, %dma_wait3A_162] : memref<8x128xi32, #tpu.memory_space<vmem>> -> memref<1x128xi32, #tpu.memory_space<vmem>>
      %dma_wait3A_164 = tpu.memref_squeeze %dma_wait3A_163 : memref<1x128xi32, #tpu.memory_space<vmem>> -> memref<128xi32, #tpu.memory_space<vmem>>
      %dma_wait3A_165 = arith.constant 0 : i32
      %dma_wait3A_166 = arith.constant 0 : i32
      %dma_wait3A_167 = tpu.memref_slice %arg9[%dma_wait3A_165, %dma_wait3A_166] : memref<10240x128xf32, #tpu.memory_space<vmem_shared>> -> memref<10240x128xf32, #tpu.memory_space<vmem_shared>>
      tpu.wait_indirect_dma semaphore(%arg14 : memref<!tpu.dma_semaphore, #tpu.memory_space<semaphore_mem>>) src(%arg10 : memref<128x128xf32, #tpu.memory_space<vmem>>) dst(%dma_wait3A_167 : memref<10240x128xf32, #tpu.memory_space<vmem_shared>>)
      %dma_start3A_168 = arith.constant 6 : i32
      %dma_start3A_169 = arith.constant 0 : i32
      %dma_start3A_170 = tpu.memref_slice %arg7[%dma_start3A_168, %dma_start3A_169] : memref<8x128xi32, #tpu.memory_space<vmem>> -> memref<1x128xi32, #tpu.memory_space<vmem>>
      %dma_start3A_171 = tpu.memref_squeeze %dma_start3A_170 : memref<1x128xi32, #tpu.memory_space<vmem>> -> memref<128xi32, #tpu.memory_space<vmem>>
      %dma_start3A_172 = arith.constant 0 : i32
      %dma_start3A_173 = arith.constant 0 : i32
      %dma_start3A_174 = tpu.memref_slice %arg2[%dma_start3A_172, %dma_start3A_173] : memref<10000x128xf32, #tpu.memory_space<hbm>> -> memref<10000x128xf32, #tpu.memory_space<hbm>>
      tpu.enqueue_indirect_dma source(%dma_start3A_174 : memref<10000x128xf32, #tpu.memory_space<hbm>>) target(%arg10 : memref<128x128xf32, #tpu.memory_space<vmem>>) offsets(%dma_start3A_171 : memref<128xi32, #tpu.memory_space<vmem>>) semaphore(%arg12 : memref<!tpu.dma_semaphore, #tpu.memory_space<semaphore_mem>>)
      %dma_wait3A_175 = arith.constant 5 : i32
      %dma_wait3A_176 = arith.constant 0 : i32
      %dma_wait3A_177 = tpu.memref_slice %arg7[%dma_wait3A_175, %dma_wait3A_176] : memref<8x128xi32, #tpu.memory_space<vmem>> -> memref<1x128xi32, #tpu.memory_space<vmem>>
      %dma_wait3A_178 = tpu.memref_squeeze %dma_wait3A_177 : memref<1x128xi32, #tpu.memory_space<vmem>> -> memref<128xi32, #tpu.memory_space<vmem>>
      %dma_wait3A_179 = arith.constant 0 : i32
      %dma_wait3A_180 = arith.constant 0 : i32
      %dma_wait3A_181 = tpu.memref_slice %arg2[%dma_wait3A_179, %dma_wait3A_180] : memref<10000x128xf32, #tpu.memory_space<hbm>> -> memref<10000x128xf32, #tpu.memory_space<hbm>>
      tpu.wait_indirect_dma semaphore(%arg13 : memref<!tpu.dma_semaphore, #tpu.memory_space<semaphore_mem>>) src(%dma_wait3A_181 : memref<10000x128xf32, #tpu.memory_space<hbm>>) dst(%arg11 : memref<128x128xf32, #tpu.memory_space<vmem>>)
      %dma_start3A_182 = arith.constant 5 : i32
      %dma_start3A_183 = arith.constant 0 : i32
      %dma_start3A_184 = tpu.memref_slice %arg8[%dma_start3A_182, %dma_start3A_183] : memref<8x128xi32, #tpu.memory_space<vmem>> -> memref<1x128xi32, #tpu.memory_space<vmem>>
      %dma_start3A_185 = tpu.memref_squeeze %dma_start3A_184 : memref<1x128xi32, #tpu.memory_space<vmem>> -> memref<128xi32, #tpu.memory_space<vmem>>
      %dma_start3A_186 = arith.constant 0 : i32
      %dma_start3A_187 = arith.constant 0 : i32
      %dma_start3A_188 = tpu.memref_slice %arg9[%dma_start3A_186, %dma_start3A_187] : memref<10240x128xf32, #tpu.memory_space<vmem_shared>> -> memref<10240x128xf32, #tpu.memory_space<vmem_shared>>
      tpu.enqueue_indirect_dma source(%arg11 : memref<128x128xf32, #tpu.memory_space<vmem>>) target(%dma_start3A_188 : memref<10240x128xf32, #tpu.memory_space<vmem_shared>>) offsets(%dma_start3A_185 : memref<128xi32, #tpu.memory_space<vmem>>) semaphore(%arg15 : memref<!tpu.dma_semaphore, #tpu.memory_space<semaphore_mem>>) {add = true}
      %dma_wait3A_189 = arith.constant 5 : i32
      %dma_wait3A_190 = arith.constant 0 : i32
      %dma_wait3A_191 = tpu.memref_slice %arg8[%dma_wait3A_189, %dma_wait3A_190] : memref<8x128xi32, #tpu.memory_space<vmem>> -> memref<1x128xi32, #tpu.memory_space<vmem>>
      %dma_wait3A_192 = tpu.memref_squeeze %dma_wait3A_191 : memref<1x128xi32, #tpu.memory_space<vmem>> -> memref<128xi32, #tpu.memory_space<vmem>>
      %dma_wait3A_193 = arith.constant 0 : i32
      %dma_wait3A_194 = arith.constant 0 : i32
      %dma_wait3A_195 = tpu.memref_slice %arg9[%dma_wait3A_193, %dma_wait3A_194] : memref<10240x128xf32, #tpu.memory_space<vmem_shared>> -> memref<10240x128xf32, #tpu.memory_space<vmem_shared>>
      tpu.wait_indirect_dma semaphore(%arg15 : memref<!tpu.dma_semaphore, #tpu.memory_space<semaphore_mem>>) src(%arg11 : memref<128x128xf32, #tpu.memory_space<vmem>>) dst(%dma_wait3A_195 : memref<10240x128xf32, #tpu.memory_space<vmem_shared>>)
      %dma_start3A_196 = arith.constant 7 : i32
      %dma_start3A_197 = arith.constant 0 : i32
      %dma_start3A_198 = tpu.memref_slice %arg7[%dma_start3A_196, %dma_start3A_197] : memref<8x128xi32, #tpu.memory_space<vmem>> -> memref<1x128xi32, #tpu.memory_space<vmem>>
      %dma_start3A_199 = tpu.memref_squeeze %dma_start3A_198 : memref<1x128xi32, #tpu.memory_space<vmem>> -> memref<128xi32, #tpu.memory_space<vmem>>
      %dma_start3A_200 = arith.constant 0 : i32
      %dma_start3A_201 = arith.constant 0 : i32
      %dma_start3A_202 = tpu.memref_slice %arg2[%dma_start3A_200, %dma_start3A_201] : memref<10000x128xf32, #tpu.memory_space<hbm>> -> memref<10000x128xf32, #tpu.memory_space<hbm>>
      tpu.enqueue_indirect_dma source(%dma_start3A_202 : memref<10000x128xf32, #tpu.memory_space<hbm>>) target(%arg11 : memref<128x128xf32, #tpu.memory_space<vmem>>) offsets(%dma_start3A_199 : memref<128xi32, #tpu.memory_space<vmem>>) semaphore(%arg13 : memref<!tpu.dma_semaphore, #tpu.memory_space<semaphore_mem>>)
      %dma_wait3A_203 = arith.constant 6 : i32
      %dma_wait3A_204 = arith.constant 0 : i32
      %dma_wait3A_205 = tpu.memref_slice %arg7[%dma_wait3A_203, %dma_wait3A_204] : memref<8x128xi32, #tpu.memory_space<vmem>> -> memref<1x128xi32, #tpu.memory_space<vmem>>
      %dma_wait3A_206 = tpu.memref_squeeze %dma_wait3A_205 : memref<1x128xi32, #tpu.memory_space<vmem>> -> memref<128xi32, #tpu.memory_space<vmem>>
      %dma_wait3A_207 = arith.constant 0 : i32
      %dma_wait3A_208 = arith.constant 0 : i32
      %dma_wait3A_209 = tpu.memref_slice %arg2[%dma_wait3A_207, %dma_wait3A_208] : memref<10000x128xf32, #tpu.memory_space<hbm>> -> memref<10000x128xf32, #tpu.memory_space<hbm>>
      tpu.wait_indirect_dma semaphore(%arg12 : memref<!tpu.dma_semaphore, #tpu.memory_space<semaphore_mem>>) src(%dma_wait3A_209 : memref<10000x128xf32, #tpu.memory_space<hbm>>) dst(%arg10 : memref<128x128xf32, #tpu.memory_space<vmem>>)
      %dma_start3A_210 = arith.constant 6 : i32
      %dma_start3A_211 = arith.constant 0 : i32
      %dma_start3A_212 = tpu.memref_slice %arg8[%dma_start3A_210, %dma_start3A_211] : memref<8x128xi32, #tpu.memory_space<vmem>> -> memref<1x128xi32, #tpu.memory_space<vmem>>
      %dma_start3A_213 = tpu.memref_squeeze %dma_start3A_212 : memref<1x128xi32, #tpu.memory_space<vmem>> -> memref<128xi32, #tpu.memory_space<vmem>>
      %dma_start3A_214 = arith.constant 0 : i32
      %dma_start3A_215 = arith.constant 0 : i32
      %dma_start3A_216 = tpu.memref_slice %arg9[%dma_start3A_214, %dma_start3A_215] : memref<10240x128xf32, #tpu.memory_space<vmem_shared>> -> memref<10240x128xf32, #tpu.memory_space<vmem_shared>>
      tpu.enqueue_indirect_dma source(%arg10 : memref<128x128xf32, #tpu.memory_space<vmem>>) target(%dma_start3A_216 : memref<10240x128xf32, #tpu.memory_space<vmem_shared>>) offsets(%dma_start3A_213 : memref<128xi32, #tpu.memory_space<vmem>>) semaphore(%arg14 : memref<!tpu.dma_semaphore, #tpu.memory_space<semaphore_mem>>) {add = true}
      %dma_wait3A_217 = arith.constant 7 : i32
      %dma_wait3A_218 = arith.constant 0 : i32
      %dma_wait3A_219 = tpu.memref_slice %arg7[%dma_wait3A_217, %dma_wait3A_218] : memref<8x128xi32, #tpu.memory_space<vmem>> -> memref<1x128xi32, #tpu.memory_space<vmem>>
      %dma_wait3A_220 = tpu.memref_squeeze %dma_wait3A_219 : memref<1x128xi32, #tpu.memory_space<vmem>> -> memref<128xi32, #tpu.memory_space<vmem>>
      %dma_wait3A_221 = arith.constant 0 : i32
      %dma_wait3A_222 = arith.constant 0 : i32
      %dma_wait3A_223 = tpu.memref_slice %arg2[%dma_wait3A_221, %dma_wait3A_222] : memref<10000x128xf32, #tpu.memory_space<hbm>> -> memref<10000x128xf32, #tpu.memory_space<hbm>>
      tpu.wait_indirect_dma semaphore(%arg13 : memref<!tpu.dma_semaphore, #tpu.memory_space<semaphore_mem>>) src(%dma_wait3A_223 : memref<10000x128xf32, #tpu.memory_space<hbm>>) dst(%arg11 : memref<128x128xf32, #tpu.memory_space<vmem>>)
      %dma_start3A_224 = arith.constant 7 : i32
      %dma_start3A_225 = arith.constant 0 : i32
      %dma_start3A_226 = tpu.memref_slice %arg8[%dma_start3A_224, %dma_start3A_225] : memref<8x128xi32, #tpu.memory_space<vmem>> -> memref<1x128xi32, #tpu.memory_space<vmem>>
      %dma_start3A_227 = tpu.memref_squeeze %dma_start3A_226 : memref<1x128xi32, #tpu.memory_space<vmem>> -> memref<128xi32, #tpu.memory_space<vmem>>
      %dma_start3A_228 = arith.constant 0 : i32
      %dma_start3A_229 = arith.constant 0 : i32
      %dma_start3A_230 = tpu.memref_slice %arg9[%dma_start3A_228, %dma_start3A_229] : memref<10240x128xf32, #tpu.memory_space<vmem_shared>> -> memref<10240x128xf32, #tpu.memory_space<vmem_shared>>
      tpu.enqueue_indirect_dma source(%arg11 : memref<128x128xf32, #tpu.memory_space<vmem>>) target(%dma_start3A_230 : memref<10240x128xf32, #tpu.memory_space<vmem_shared>>) offsets(%dma_start3A_227 : memref<128xi32, #tpu.memory_space<vmem>>) semaphore(%arg15 : memref<!tpu.dma_semaphore, #tpu.memory_space<semaphore_mem>>) {add = true}
      %dma_wait3A_231 = arith.constant 6 : i32
      %dma_wait3A_232 = arith.constant 0 : i32
      %dma_wait3A_233 = tpu.memref_slice %arg8[%dma_wait3A_231, %dma_wait3A_232] : memref<8x128xi32, #tpu.memory_space<vmem>> -> memref<1x128xi32, #tpu.memory_space<vmem>>
      %dma_wait3A_234 = tpu.memref_squeeze %dma_wait3A_233 : memref<1x128xi32, #tpu.memory_space<vmem>> -> memref<128xi32, #tpu.memory_space<vmem>>
      %dma_wait3A_235 = arith.constant 0 : i32
      %dma_wait3A_236 = arith.constant 0 : i32
      %dma_wait3A_237 = tpu.memref_slice %arg9[%dma_wait3A_235, %dma_wait3A_236] : memref<10240x128xf32, #tpu.memory_space<vmem_shared>> -> memref<10240x128xf32, #tpu.memory_space<vmem_shared>>
      tpu.wait_indirect_dma semaphore(%arg14 : memref<!tpu.dma_semaphore, #tpu.memory_space<semaphore_mem>>) src(%arg10 : memref<128x128xf32, #tpu.memory_space<vmem>>) dst(%dma_wait3A_237 : memref<10240x128xf32, #tpu.memory_space<vmem_shared>>)
      %dma_wait3A_238 = arith.constant 7 : i32
      %dma_wait3A_239 = arith.constant 0 : i32
      %dma_wait3A_240 = tpu.memref_slice %arg8[%dma_wait3A_238, %dma_wait3A_239] : memref<8x128xi32, #tpu.memory_space<vmem>> -> memref<1x128xi32, #tpu.memory_space<vmem>>
      %dma_wait3A_241 = tpu.memref_squeeze %dma_wait3A_240 : memref<1x128xi32, #tpu.memory_space<vmem>> -> memref<128xi32, #tpu.memory_space<vmem>>
      %dma_wait3A_242 = arith.constant 0 : i32
      %dma_wait3A_243 = arith.constant 0 : i32
      %dma_wait3A_244 = tpu.memref_slice %arg9[%dma_wait3A_242, %dma_wait3A_243] : memref<10240x128xf32, #tpu.memory_space<vmem_shared>> -> memref<10240x128xf32, #tpu.memory_space<vmem_shared>>
      tpu.wait_indirect_dma semaphore(%arg15 : memref<!tpu.dma_semaphore, #tpu.memory_space<semaphore_mem>>) src(%arg11 : memref<128x128xf32, #tpu.memory_space<vmem>>) dst(%dma_wait3A_244 : memref<10240x128xf32, #tpu.memory_space<vmem_shared>>)
    }
    %scan3A_9 = arith.constant 10 : i32
    %barrier3A_10 = arith.constant 0 : index
    tpu.barrier barrier_id(%barrier3A_10)
    %mul3A_11 = arith.constant 640 : i32
    %mul3A_12 = arith.muli %arg1, %mul3A_11 : i32
    %mul3A_13 = arith.constant 640 : i32
    %mul3A_14 = arith.muli %arg1, %mul3A_13 : i32
    "tpu.region"() ({
      %run_scoped3A = tpu.sem_alloc : memref<!tpu.dma_semaphore, #tpu.memory_space<semaphore_mem>>
      %dma_start3A_15 = arith.constant 0 : i32
      %dma_start3A_16 = tpu.memref_slice %arg6[%arg0, %mul3A_14, %dma_start3A_15] : memref<2x10240x128xf32, #tpu.memory_space<hbm>> -> memref<1x640x128xf32, #tpu.memory_space<hbm>>
      %dma_start3A_17 = tpu.memref_squeeze %dma_start3A_16 : memref<1x640x128xf32, #tpu.memory_space<hbm>> -> memref<640x128xf32, #tpu.memory_space<hbm>>
      %dma_start3A_18 = arith.constant 0 : i32
      %dma_start3A_19 = tpu.memref_slice %arg9[%mul3A_12, %dma_start3A_18] : memref<10240x128xf32, #tpu.memory_space<vmem_shared>> -> memref<640x128xf32, #tpu.memory_space<vmem_shared>>
      tpu.enqueue_dma source(%dma_start3A_19 : memref<640x128xf32, #tpu.memory_space<vmem_shared>>) target(%dma_start3A_17 : memref<640x128xf32, #tpu.memory_space<hbm>>) target_semaphore(%run_scoped3A : memref<!tpu.dma_semaphore, #tpu.memory_space<semaphore_mem>>)
      %dma_wait3A_20 = arith.constant 0 : i32
      %dma_wait3A_21 = tpu.memref_slice %arg6[%arg0, %mul3A_14, %dma_wait3A_20] : memref<2x10240x128xf32, #tpu.memory_space<hbm>> -> memref<1x640x128xf32, #tpu.memory_space<hbm>>
      %dma_wait3A_22 = tpu.memref_squeeze %dma_wait3A_21 : memref<1x640x128xf32, #tpu.memory_space<hbm>> -> memref<640x128xf32, #tpu.memory_space<hbm>>
      %dma_wait3A_23 = arith.constant 0 : i32
      %dma_wait3A_24 = tpu.memref_slice %arg9[%mul3A_12, %dma_wait3A_23] : memref<10240x128xf32, #tpu.memory_space<vmem_shared>> -> memref<640x128xf32, #tpu.memory_space<vmem_shared>>
      tpu.wait_dma2 semaphore(%run_scoped3A : memref<!tpu.dma_semaphore, #tpu.memory_space<semaphore_mem>>) src(%dma_wait3A_24 : memref<640x128xf32, #tpu.memory_space<vmem_shared>>) dst(%dma_wait3A_22 : memref<640x128xf32, #tpu.memory_space<hbm>>)
      tpu.yield
    }) : () -> ()
    return
  }
}

#map = affine_map<(d0, d1) -> (0, 0)>
#map1 = affine_map<(d0, d1) -> (0, 0, 0)>
module attributes {stable_mosaic.version = 14 : i64} {
  func.func @agg(%arg0: i32, %arg1: i32, %arg2: memref<10000x128xf32, #tpu.memory_space<hbm>>, %arg3: memref<2560x128xi32, #tpu.memory_space<hbm>>, %arg4: memref<2560x128xi32, #tpu.memory_space<hbm>>, %arg5: memref<640x128xf32, #tpu.memory_space<hbm>>, %arg6: memref<2x10240x128xf32, #tpu.memory_space<hbm>>, %arg7: memref<8x128xi32, #tpu.memory_space<vmem>>, %arg8: memref<8x128xi32, #tpu.memory_space<vmem>>, %arg9: memref<10240x128xf32, #tpu.memory_space<vmem_shared>>, %arg10: memref<128x128xf32, #tpu.memory_space<vmem>>, %arg11: memref<128x128xf32, #tpu.memory_space<vmem>>, %arg12: memref<!tpu.dma_semaphore, #tpu.memory_space<semaphore_mem>>, %arg13: memref<!tpu.dma_semaphore, #tpu.memory_space<semaphore_mem>>, %arg14: memref<!tpu.dma_semaphore, #tpu.memory_space<semaphore_mem>>, %arg15: memref<!tpu.dma_semaphore, #tpu.memory_space<semaphore_mem>>, %arg16: memref<!tpu.dma_semaphore, #tpu.memory_space<semaphore_mem>>) attributes {dimension_semantics = [#tpu.dimension_semantics<core_parallel>, #tpu.dimension_semantics<subcore_parallel>], iteration_bounds = array<i64: 2, 16>, scalar_prefetch = 0 : i64, scratch_operands = 10 : i64, tpu.core_type = #tpu.core_type<sc_vector_subcore>, window_params = [{transform_indices = #map}, {transform_indices = #map}, {transform_indices = #map}, {transform_indices = #map}, {transform_indices = #map1}]} {
    %mul3A = arith.constant 16 : i32
    %mul3A_0 = arith.muli %arg0, %mul3A : i32
    %add3A = arith.addi %mul3A_0, %arg1 : i32
    %mul3A_1 = arith.constant 640 : i32
    %mul3A_2 = arith.muli %arg1, %mul3A_1 : i32
    %dma_start3A = arith.constant 0 : i32
    %dma_start3A_3 = tpu.memref_slice %arg9[%mul3A_2, %dma_start3A] : memref<10240x128xf32, #tpu.memory_space<vmem_shared>> -> memref<640x128xf32, #tpu.memory_space<vmem_shared>>
    tpu.enqueue_dma source(%arg5 : memref<640x128xf32, #tpu.memory_space<hbm>>) target(%dma_start3A_3 : memref<640x128xf32, #tpu.memory_space<vmem_shared>>) target_semaphore(%arg16 : memref<!tpu.dma_semaphore, #tpu.memory_space<semaphore_mem>>)
    %dma_wait3A = arith.constant 0 : i32
    %dma_wait3A_4 = tpu.memref_slice %arg9[%mul3A_2, %dma_wait3A] : memref<10240x128xf32, #tpu.memory_space<vmem_shared>> -> memref<640x128xf32, #tpu.memory_space<vmem_shared>>
    tpu.wait_dma2 semaphore(%arg16 : memref<!tpu.dma_semaphore, #tpu.memory_space<semaphore_mem>>) src(%arg5 : memref<640x128xf32, #tpu.memory_space<hbm>>) dst(%dma_wait3A_4 : memref<640x128xf32, #tpu.memory_space<vmem_shared>>)
    %barrier3A = arith.constant 0 : index
    tpu.barrier barrier_id(%barrier3A)
    %scan3A = arith.constant 0 : i32
    %scan3A_5 = arith.constant 0 : i32
    %scan3A_6 = arith.constant 10 : i32
    %scan3A_7 = arith.addi %scan3A_5, %scan3A_6 : i32
    %scan3A_8 = arith.constant 1 : i32
    scf.for %scan3A_15 = %scan3A_5 to %scan3A_7 step %scan3A_8  : i32 {
      %mul3A_16 = arith.constant 80 : i32
      %mul3A_17 = arith.muli %add3A, %mul3A_16 : i32
      %mul3A_18 = arith.constant 8 : i32
      %mul3A_19 = arith.muli %scan3A_15, %mul3A_18 : i32
      %add3A_20 = arith.addi %mul3A_17, %mul3A_19 : i32
      "tpu.region"() ({
        %run_scoped3A = tpu.sem_alloc : memref<!tpu.dma_semaphore, #tpu.memory_space<semaphore_mem>>
        %dma_start3A_245 = arith.constant 0 : i32
        %dma_start3A_246 = tpu.memref_slice %arg3[%add3A_20, %dma_start3A_245] : memref<2560x128xi32, #tpu.memory_space<hbm>> -> memref<8x128xi32, #tpu.memory_space<hbm>>
        %dma_start3A_247 = arith.constant 0 : i32
        %dma_start3A_248 = tpu.memref_slice %arg3[%add3A_20, %dma_start3A_247] : memref<2560x128xi32, #tpu.memory_space<hbm>> -> memref<8x128xi32, #tpu.memory_space<hbm>>
        tpu.enqueue_dma source(%dma_start3A_248 : memref<8x128xi32, #tpu.memory_space<hbm>>) target(%arg7 : memref<8x128xi32, #tpu.memory_space<vmem>>) target_semaphore(%run_scoped3A : memref<!tpu.dma_semaphore, #tpu.memory_space<semaphore_mem>>)
        %dma_wait3A_249 = arith.constant 0 : i32
        %dma_wait3A_250 = tpu.memref_slice %arg3[%add3A_20, %dma_wait3A_249] : memref<2560x128xi32, #tpu.memory_space<hbm>> -> memref<8x128xi32, #tpu.memory_space<hbm>>
        %dma_wait3A_251 = arith.constant 0 : i32
        %dma_wait3A_252 = tpu.memref_slice %arg3[%add3A_20, %dma_wait3A_251] : memref<2560x128xi32, #tpu.memory_space<hbm>> -> memref<8x128xi32, #tpu.memory_space<hbm>>
        tpu.wait_dma2 semaphore(%run_scoped3A : memref<!tpu.dma_semaphore, #tpu.memory_space<semaphore_mem>>) src(%dma_wait3A_252 : memref<8x128xi32, #tpu.memory_space<hbm>>) dst(%arg7 : memref<8x128xi32, #tpu.memory_space<vmem>>)
        tpu.yield
      }) : () -> ()
      "tpu.region"() ({
        %run_scoped3A = tpu.sem_alloc : memref<!tpu.dma_semaphore, #tpu.memory_space<semaphore_mem>>
        %dma_start3A_245 = arith.constant 0 : i32
        %dma_start3A_246 = tpu.memref_slice %arg4[%add3A_20, %dma_start3A_245] : memref<2560x128xi32, #tpu.memory_space<hbm>> -> memref<8x128xi32, #tpu.memory_space<hbm>>
        %dma_start3A_247 = arith.constant 0 : i32
        %dma_start3A_248 = tpu.memref_slice %arg4[%add3A_20, %dma_start3A_247] : memref<2560x128xi32, #tpu.memory_space<hbm>> -> memref<8x128xi32, #tpu.memory_space<hbm>>
        tpu.enqueue_dma source(%dma_start3A_248 : memref<8x128xi32, #tpu.memory_space<hbm>>) target(%arg8 : memref<8x128xi32, #tpu.memory_space<vmem>>) target_semaphore(%run_scoped3A : memref<!tpu.dma_semaphore, #tpu.memory_space<semaphore_mem>>)
        %dma_wait3A_249 = arith.constant 0 : i32
        %dma_wait3A_250 = tpu.memref_slice %arg4[%add3A_20, %dma_wait3A_249] : memref<2560x128xi32, #tpu.memory_space<hbm>> -> memref<8x128xi32, #tpu.memory_space<hbm>>
        %dma_wait3A_251 = arith.constant 0 : i32
        %dma_wait3A_252 = tpu.memref_slice %arg4[%add3A_20, %dma_wait3A_251] : memref<2560x128xi32, #tpu.memory_space<hbm>> -> memref<8x128xi32, #tpu.memory_space<hbm>>
        tpu.wait_dma2 semaphore(%run_scoped3A : memref<!tpu.dma_semaphore, #tpu.memory_space<semaphore_mem>>) src(%dma_wait3A_252 : memref<8x128xi32, #tpu.memory_space<hbm>>) dst(%arg8 : memref<8x128xi32, #tpu.memory_space<vmem>>)
        tpu.yield
      }) : () -> ()
      %dma_start3A_21 = arith.constant 0 : i32
      %dma_start3A_22 = arith.constant 0 : i32
      %dma_start3A_23 = tpu.memref_slice %arg7[%dma_start3A_21, %dma_start3A_22] : memref<8x128xi32, #tpu.memory_space<vmem>> -> memref<1x128xi32, #tpu.memory_space<vmem>>
      %dma_start3A_24 = tpu.memref_squeeze %dma_start3A_23 : memref<1x128xi32, #tpu.memory_space<vmem>> -> memref<128xi32, #tpu.memory_space<vmem>>
      %dma_start3A_25 = arith.constant 0 : i32
      %dma_start3A_26 = arith.constant 0 : i32
      %dma_start3A_27 = tpu.memref_slice %arg2[%dma_start3A_25, %dma_start3A_26] : memref<10000x128xf32, #tpu.memory_space<hbm>> -> memref<10000x128xf32, #tpu.memory_space<hbm>>
      tpu.enqueue_indirect_dma source(%dma_start3A_27 : memref<10000x128xf32, #tpu.memory_space<hbm>>) target(%arg10 : memref<128x128xf32, #tpu.memory_space<vmem>>) offsets(%dma_start3A_24 : memref<128xi32, #tpu.memory_space<vmem>>) semaphore(%arg12 : memref<!tpu.dma_semaphore, #tpu.memory_space<semaphore_mem>>)
      %dma_start3A_28 = arith.constant 1 : i32
      %dma_start3A_29 = arith.constant 0 : i32
      %dma_start3A_30 = tpu.memref_slice %arg7[%dma_start3A_28, %dma_start3A_29] : memref<8x128xi32, #tpu.memory_space<vmem>> -> memref<1x128xi32, #tpu.memory_space<vmem>>
      %dma_start3A_31 = tpu.memref_squeeze %dma_start3A_30 : memref<1x128xi32, #tpu.memory_space<vmem>> -> memref<128xi32, #tpu.memory_space<vmem>>
      %dma_start3A_32 = arith.constant 0 : i32
      %dma_start3A_33 = arith.constant 0 : i32
      %dma_start3A_34 = tpu.memref_slice %arg2[%dma_start3A_32, %dma_start3A_33] : memref<10000x128xf32, #tpu.memory_space<hbm>> -> memref<10000x128xf32, #tpu.memory_space<hbm>>
      tpu.enqueue_indirect_dma source(%dma_start3A_34 : memref<10000x128xf32, #tpu.memory_space<hbm>>) target(%arg11 : memref<128x128xf32, #tpu.memory_space<vmem>>) offsets(%dma_start3A_31 : memref<128xi32, #tpu.memory_space<vmem>>) semaphore(%arg13 : memref<!tpu.dma_semaphore, #tpu.memory_space<semaphore_mem>>)
      %dma_wait3A_35 = arith.constant 0 : i32
      %dma_wait3A_36 = arith.constant 0 : i32
      %dma_wait3A_37 = tpu.memref_slice %arg7[%dma_wait3A_35, %dma_wait3A_36] : memref<8x128xi32, #tpu.memory_space<vmem>> -> memref<1x128xi32, #tpu.memory_space<vmem>>
      %dma_wait3A_38 = tpu.memref_squeeze %dma_wait3A_37 : memref<1x128xi32, #tpu.memory_space<vmem>> -> memref<128xi32, #tpu.memory_space<vmem>>
      %dma_wait3A_39 = arith.constant 0 : i32
      %dma_wait3A_40 = arith.constant 0 : i32
      %dma_wait3A_41 = tpu.memref_slice %arg2[%dma_wait3A_39, %dma_wait3A_40] : memref<10000x128xf32, #tpu.memory_space<hbm>> -> memref<10000x128xf32, #tpu.memory_space<hbm>>
      tpu.wait_indirect_dma semaphore(%arg12 : memref<!tpu.dma_semaphore, #tpu.memory_space<semaphore_mem>>) src(%dma_wait3A_41 : memref<10000x128xf32, #tpu.memory_space<hbm>>) dst(%arg10 : memref<128x128xf32, #tpu.memory_space<vmem>>)
      %dma_start3A_42 = arith.constant 0 : i32
      %dma_start3A_43 = arith.constant 0 : i32
      %dma_start3A_44 = tpu.memref_slice %arg8[%dma_start3A_42, %dma_start3A_43] : memref<8x128xi32, #tpu.memory_space<vmem>> -> memref<1x128xi32, #tpu.memory_space<vmem>>
      %dma_start3A_45 = tpu.memref_squeeze %dma_start3A_44 : memref<1x128xi32, #tpu.memory_space<vmem>> -> memref<128xi32, #tpu.memory_space<vmem>>
      %dma_start3A_46 = arith.constant 0 : i32
      %dma_start3A_47 = arith.constant 0 : i32
      %dma_start3A_48 = tpu.memref_slice %arg9[%dma_start3A_46, %dma_start3A_47] : memref<10240x128xf32, #tpu.memory_space<vmem_shared>> -> memref<10240x128xf32, #tpu.memory_space<vmem_shared>>
      tpu.enqueue_indirect_dma source(%arg10 : memref<128x128xf32, #tpu.memory_space<vmem>>) target(%dma_start3A_48 : memref<10240x128xf32, #tpu.memory_space<vmem_shared>>) offsets(%dma_start3A_45 : memref<128xi32, #tpu.memory_space<vmem>>) semaphore(%arg14 : memref<!tpu.dma_semaphore, #tpu.memory_space<semaphore_mem>>) {add = true}
      %dma_wait3A_49 = arith.constant 0 : i32
      %dma_wait3A_50 = arith.constant 0 : i32
      %dma_wait3A_51 = tpu.memref_slice %arg8[%dma_wait3A_49, %dma_wait3A_50] : memref<8x128xi32, #tpu.memory_space<vmem>> -> memref<1x128xi32, #tpu.memory_space<vmem>>
      %dma_wait3A_52 = tpu.memref_squeeze %dma_wait3A_51 : memref<1x128xi32, #tpu.memory_space<vmem>> -> memref<128xi32, #tpu.memory_space<vmem>>
      %dma_wait3A_53 = arith.constant 0 : i32
      %dma_wait3A_54 = arith.constant 0 : i32
      %dma_wait3A_55 = tpu.memref_slice %arg9[%dma_wait3A_53, %dma_wait3A_54] : memref<10240x128xf32, #tpu.memory_space<vmem_shared>> -> memref<10240x128xf32, #tpu.memory_space<vmem_shared>>
      tpu.wait_indirect_dma semaphore(%arg14 : memref<!tpu.dma_semaphore, #tpu.memory_space<semaphore_mem>>) src(%arg10 : memref<128x128xf32, #tpu.memory_space<vmem>>) dst(%dma_wait3A_55 : memref<10240x128xf32, #tpu.memory_space<vmem_shared>>)
      %dma_start3A_56 = arith.constant 2 : i32
      %dma_start3A_57 = arith.constant 0 : i32
      %dma_start3A_58 = tpu.memref_slice %arg7[%dma_start3A_56, %dma_start3A_57] : memref<8x128xi32, #tpu.memory_space<vmem>> -> memref<1x128xi32, #tpu.memory_space<vmem>>
      %dma_start3A_59 = tpu.memref_squeeze %dma_start3A_58 : memref<1x128xi32, #tpu.memory_space<vmem>> -> memref<128xi32, #tpu.memory_space<vmem>>
      %dma_start3A_60 = arith.constant 0 : i32
      %dma_start3A_61 = arith.constant 0 : i32
      %dma_start3A_62 = tpu.memref_slice %arg2[%dma_start3A_60, %dma_start3A_61] : memref<10000x128xf32, #tpu.memory_space<hbm>> -> memref<10000x128xf32, #tpu.memory_space<hbm>>
      tpu.enqueue_indirect_dma source(%dma_start3A_62 : memref<10000x128xf32, #tpu.memory_space<hbm>>) target(%arg10 : memref<128x128xf32, #tpu.memory_space<vmem>>) offsets(%dma_start3A_59 : memref<128xi32, #tpu.memory_space<vmem>>) semaphore(%arg12 : memref<!tpu.dma_semaphore, #tpu.memory_space<semaphore_mem>>)
      %dma_wait3A_63 = arith.constant 1 : i32
      %dma_wait3A_64 = arith.constant 0 : i32
      %dma_wait3A_65 = tpu.memref_slice %arg7[%dma_wait3A_63, %dma_wait3A_64] : memref<8x128xi32, #tpu.memory_space<vmem>> -> memref<1x128xi32, #tpu.memory_space<vmem>>
      %dma_wait3A_66 = tpu.memref_squeeze %dma_wait3A_65 : memref<1x128xi32, #tpu.memory_space<vmem>> -> memref<128xi32, #tpu.memory_space<vmem>>
      %dma_wait3A_67 = arith.constant 0 : i32
      %dma_wait3A_68 = arith.constant 0 : i32
      %dma_wait3A_69 = tpu.memref_slice %arg2[%dma_wait3A_67, %dma_wait3A_68] : memref<10000x128xf32, #tpu.memory_space<hbm>> -> memref<10000x128xf32, #tpu.memory_space<hbm>>
      tpu.wait_indirect_dma semaphore(%arg13 : memref<!tpu.dma_semaphore, #tpu.memory_space<semaphore_mem>>) src(%dma_wait3A_69 : memref<10000x128xf32, #tpu.memory_space<hbm>>) dst(%arg11 : memref<128x128xf32, #tpu.memory_space<vmem>>)
      %dma_start3A_70 = arith.constant 1 : i32
      %dma_start3A_71 = arith.constant 0 : i32
      %dma_start3A_72 = tpu.memref_slice %arg8[%dma_start3A_70, %dma_start3A_71] : memref<8x128xi32, #tpu.memory_space<vmem>> -> memref<1x128xi32, #tpu.memory_space<vmem>>
      %dma_start3A_73 = tpu.memref_squeeze %dma_start3A_72 : memref<1x128xi32, #tpu.memory_space<vmem>> -> memref<128xi32, #tpu.memory_space<vmem>>
      %dma_start3A_74 = arith.constant 0 : i32
      %dma_start3A_75 = arith.constant 0 : i32
      %dma_start3A_76 = tpu.memref_slice %arg9[%dma_start3A_74, %dma_start3A_75] : memref<10240x128xf32, #tpu.memory_space<vmem_shared>> -> memref<10240x128xf32, #tpu.memory_space<vmem_shared>>
      tpu.enqueue_indirect_dma source(%arg11 : memref<128x128xf32, #tpu.memory_space<vmem>>) target(%dma_start3A_76 : memref<10240x128xf32, #tpu.memory_space<vmem_shared>>) offsets(%dma_start3A_73 : memref<128xi32, #tpu.memory_space<vmem>>) semaphore(%arg15 : memref<!tpu.dma_semaphore, #tpu.memory_space<semaphore_mem>>) {add = true}
      %dma_wait3A_77 = arith.constant 1 : i32
      %dma_wait3A_78 = arith.constant 0 : i32
      %dma_wait3A_79 = tpu.memref_slice %arg8[%dma_wait3A_77, %dma_wait3A_78] : memref<8x128xi32, #tpu.memory_space<vmem>> -> memref<1x128xi32, #tpu.memory_space<vmem>>
      %dma_wait3A_80 = tpu.memref_squeeze %dma_wait3A_79 : memref<1x128xi32, #tpu.memory_space<vmem>> -> memref<128xi32, #tpu.memory_space<vmem>>
      %dma_wait3A_81 = arith.constant 0 : i32
      %dma_wait3A_82 = arith.constant 0 : i32
      %dma_wait3A_83 = tpu.memref_slice %arg9[%dma_wait3A_81, %dma_wait3A_82] : memref<10240x128xf32, #tpu.memory_space<vmem_shared>> -> memref<10240x128xf32, #tpu.memory_space<vmem_shared>>
      tpu.wait_indirect_dma semaphore(%arg15 : memref<!tpu.dma_semaphore, #tpu.memory_space<semaphore_mem>>) src(%arg11 : memref<128x128xf32, #tpu.memory_space<vmem>>) dst(%dma_wait3A_83 : memref<10240x128xf32, #tpu.memory_space<vmem_shared>>)
      %dma_start3A_84 = arith.constant 3 : i32
      %dma_start3A_85 = arith.constant 0 : i32
      %dma_start3A_86 = tpu.memref_slice %arg7[%dma_start3A_84, %dma_start3A_85] : memref<8x128xi32, #tpu.memory_space<vmem>> -> memref<1x128xi32, #tpu.memory_space<vmem>>
      %dma_start3A_87 = tpu.memref_squeeze %dma_start3A_86 : memref<1x128xi32, #tpu.memory_space<vmem>> -> memref<128xi32, #tpu.memory_space<vmem>>
      %dma_start3A_88 = arith.constant 0 : i32
      %dma_start3A_89 = arith.constant 0 : i32
      %dma_start3A_90 = tpu.memref_slice %arg2[%dma_start3A_88, %dma_start3A_89] : memref<10000x128xf32, #tpu.memory_space<hbm>> -> memref<10000x128xf32, #tpu.memory_space<hbm>>
      tpu.enqueue_indirect_dma source(%dma_start3A_90 : memref<10000x128xf32, #tpu.memory_space<hbm>>) target(%arg11 : memref<128x128xf32, #tpu.memory_space<vmem>>) offsets(%dma_start3A_87 : memref<128xi32, #tpu.memory_space<vmem>>) semaphore(%arg13 : memref<!tpu.dma_semaphore, #tpu.memory_space<semaphore_mem>>)
      %dma_wait3A_91 = arith.constant 2 : i32
      %dma_wait3A_92 = arith.constant 0 : i32
      %dma_wait3A_93 = tpu.memref_slice %arg7[%dma_wait3A_91, %dma_wait3A_92] : memref<8x128xi32, #tpu.memory_space<vmem>> -> memref<1x128xi32, #tpu.memory_space<vmem>>
      %dma_wait3A_94 = tpu.memref_squeeze %dma_wait3A_93 : memref<1x128xi32, #tpu.memory_space<vmem>> -> memref<128xi32, #tpu.memory_space<vmem>>
      %dma_wait3A_95 = arith.constant 0 : i32
      %dma_wait3A_96 = arith.constant 0 : i32
      %dma_wait3A_97 = tpu.memref_slice %arg2[%dma_wait3A_95, %dma_wait3A_96] : memref<10000x128xf32, #tpu.memory_space<hbm>> -> memref<10000x128xf32, #tpu.memory_space<hbm>>
      tpu.wait_indirect_dma semaphore(%arg12 : memref<!tpu.dma_semaphore, #tpu.memory_space<semaphore_mem>>) src(%dma_wait3A_97 : memref<10000x128xf32, #tpu.memory_space<hbm>>) dst(%arg10 : memref<128x128xf32, #tpu.memory_space<vmem>>)
      %dma_start3A_98 = arith.constant 2 : i32
      %dma_start3A_99 = arith.constant 0 : i32
      %dma_start3A_100 = tpu.memref_slice %arg8[%dma_start3A_98, %dma_start3A_99] : memref<8x128xi32, #tpu.memory_space<vmem>> -> memref<1x128xi32, #tpu.memory_space<vmem>>
      %dma_start3A_101 = tpu.memref_squeeze %dma_start3A_100 : memref<1x128xi32, #tpu.memory_space<vmem>> -> memref<128xi32, #tpu.memory_space<vmem>>
      %dma_start3A_102 = arith.constant 0 : i32
      %dma_start3A_103 = arith.constant 0 : i32
      %dma_start3A_104 = tpu.memref_slice %arg9[%dma_start3A_102, %dma_start3A_103] : memref<10240x128xf32, #tpu.memory_space<vmem_shared>> -> memref<10240x128xf32, #tpu.memory_space<vmem_shared>>
      tpu.enqueue_indirect_dma source(%arg10 : memref<128x128xf32, #tpu.memory_space<vmem>>) target(%dma_start3A_104 : memref<10240x128xf32, #tpu.memory_space<vmem_shared>>) offsets(%dma_start3A_101 : memref<128xi32, #tpu.memory_space<vmem>>) semaphore(%arg14 : memref<!tpu.dma_semaphore, #tpu.memory_space<semaphore_mem>>) {add = true}
      %dma_wait3A_105 = arith.constant 2 : i32
      %dma_wait3A_106 = arith.constant 0 : i32
      %dma_wait3A_107 = tpu.memref_slice %arg8[%dma_wait3A_105, %dma_wait3A_106] : memref<8x128xi32, #tpu.memory_space<vmem>> -> memref<1x128xi32, #tpu.memory_space<vmem>>
      %dma_wait3A_108 = tpu.memref_squeeze %dma_wait3A_107 : memref<1x128xi32, #tpu.memory_space<vmem>> -> memref<128xi32, #tpu.memory_space<vmem>>
      %dma_wait3A_109 = arith.constant 0 : i32
      %dma_wait3A_110 = arith.constant 0 : i32
      %dma_wait3A_111 = tpu.memref_slice %arg9[%dma_wait3A_109, %dma_wait3A_110] : memref<10240x128xf32, #tpu.memory_space<vmem_shared>> -> memref<10240x128xf32, #tpu.memory_space<vmem_shared>>
      tpu.wait_indirect_dma semaphore(%arg14 : memref<!tpu.dma_semaphore, #tpu.memory_space<semaphore_mem>>) src(%arg10 : memref<128x128xf32, #tpu.memory_space<vmem>>) dst(%dma_wait3A_111 : memref<10240x128xf32, #tpu.memory_space<vmem_shared>>)
      %dma_start3A_112 = arith.constant 4 : i32
      %dma_start3A_113 = arith.constant 0 : i32
      %dma_start3A_114 = tpu.memref_slice %arg7[%dma_start3A_112, %dma_start3A_113] : memref<8x128xi32, #tpu.memory_space<vmem>> -> memref<1x128xi32, #tpu.memory_space<vmem>>
      %dma_start3A_115 = tpu.memref_squeeze %dma_start3A_114 : memref<1x128xi32, #tpu.memory_space<vmem>> -> memref<128xi32, #tpu.memory_space<vmem>>
      %dma_start3A_116 = arith.constant 0 : i32
      %dma_start3A_117 = arith.constant 0 : i32
      %dma_start3A_118 = tpu.memref_slice %arg2[%dma_start3A_116, %dma_start3A_117] : memref<10000x128xf32, #tpu.memory_space<hbm>> -> memref<10000x128xf32, #tpu.memory_space<hbm>>
      tpu.enqueue_indirect_dma source(%dma_start3A_118 : memref<10000x128xf32, #tpu.memory_space<hbm>>) target(%arg10 : memref<128x128xf32, #tpu.memory_space<vmem>>) offsets(%dma_start3A_115 : memref<128xi32, #tpu.memory_space<vmem>>) semaphore(%arg12 : memref<!tpu.dma_semaphore, #tpu.memory_space<semaphore_mem>>)
      %dma_wait3A_119 = arith.constant 3 : i32
      %dma_wait3A_120 = arith.constant 0 : i32
      %dma_wait3A_121 = tpu.memref_slice %arg7[%dma_wait3A_119, %dma_wait3A_120] : memref<8x128xi32, #tpu.memory_space<vmem>> -> memref<1x128xi32, #tpu.memory_space<vmem>>
      %dma_wait3A_122 = tpu.memref_squeeze %dma_wait3A_121 : memref<1x128xi32, #tpu.memory_space<vmem>> -> memref<128xi32, #tpu.memory_space<vmem>>
      %dma_wait3A_123 = arith.constant 0 : i32
      %dma_wait3A_124 = arith.constant 0 : i32
      %dma_wait3A_125 = tpu.memref_slice %arg2[%dma_wait3A_123, %dma_wait3A_124] : memref<10000x128xf32, #tpu.memory_space<hbm>> -> memref<10000x128xf32, #tpu.memory_space<hbm>>
      tpu.wait_indirect_dma semaphore(%arg13 : memref<!tpu.dma_semaphore, #tpu.memory_space<semaphore_mem>>) src(%dma_wait3A_125 : memref<10000x128xf32, #tpu.memory_space<hbm>>) dst(%arg11 : memref<128x128xf32, #tpu.memory_space<vmem>>)
      %dma_start3A_126 = arith.constant 3 : i32
      %dma_start3A_127 = arith.constant 0 : i32
      %dma_start3A_128 = tpu.memref_slice %arg8[%dma_start3A_126, %dma_start3A_127] : memref<8x128xi32, #tpu.memory_space<vmem>> -> memref<1x128xi32, #tpu.memory_space<vmem>>
      %dma_start3A_129 = tpu.memref_squeeze %dma_start3A_128 : memref<1x128xi32, #tpu.memory_space<vmem>> -> memref<128xi32, #tpu.memory_space<vmem>>
      %dma_start3A_130 = arith.constant 0 : i32
      %dma_start3A_131 = arith.constant 0 : i32
      %dma_start3A_132 = tpu.memref_slice %arg9[%dma_start3A_130, %dma_start3A_131] : memref<10240x128xf32, #tpu.memory_space<vmem_shared>> -> memref<10240x128xf32, #tpu.memory_space<vmem_shared>>
      tpu.enqueue_indirect_dma source(%arg11 : memref<128x128xf32, #tpu.memory_space<vmem>>) target(%dma_start3A_132 : memref<10240x128xf32, #tpu.memory_space<vmem_shared>>) offsets(%dma_start3A_129 : memref<128xi32, #tpu.memory_space<vmem>>) semaphore(%arg15 : memref<!tpu.dma_semaphore, #tpu.memory_space<semaphore_mem>>) {add = true}
      %dma_wait3A_133 = arith.constant 3 : i32
      %dma_wait3A_134 = arith.constant 0 : i32
      %dma_wait3A_135 = tpu.memref_slice %arg8[%dma_wait3A_133, %dma_wait3A_134] : memref<8x128xi32, #tpu.memory_space<vmem>> -> memref<1x128xi32, #tpu.memory_space<vmem>>
      %dma_wait3A_136 = tpu.memref_squeeze %dma_wait3A_135 : memref<1x128xi32, #tpu.memory_space<vmem>> -> memref<128xi32, #tpu.memory_space<vmem>>
      %dma_wait3A_137 = arith.constant 0 : i32
      %dma_wait3A_138 = arith.constant 0 : i32
      %dma_wait3A_139 = tpu.memref_slice %arg9[%dma_wait3A_137, %dma_wait3A_138] : memref<10240x128xf32, #tpu.memory_space<vmem_shared>> -> memref<10240x128xf32, #tpu.memory_space<vmem_shared>>
      tpu.wait_indirect_dma semaphore(%arg15 : memref<!tpu.dma_semaphore, #tpu.memory_space<semaphore_mem>>) src(%arg11 : memref<128x128xf32, #tpu.memory_space<vmem>>) dst(%dma_wait3A_139 : memref<10240x128xf32, #tpu.memory_space<vmem_shared>>)
      %dma_start3A_140 = arith.constant 5 : i32
      %dma_start3A_141 = arith.constant 0 : i32
      %dma_start3A_142 = tpu.memref_slice %arg7[%dma_start3A_140, %dma_start3A_141] : memref<8x128xi32, #tpu.memory_space<vmem>> -> memref<1x128xi32, #tpu.memory_space<vmem>>
      %dma_start3A_143 = tpu.memref_squeeze %dma_start3A_142 : memref<1x128xi32, #tpu.memory_space<vmem>> -> memref<128xi32, #tpu.memory_space<vmem>>
      %dma_start3A_144 = arith.constant 0 : i32
      %dma_start3A_145 = arith.constant 0 : i32
      %dma_start3A_146 = tpu.memref_slice %arg2[%dma_start3A_144, %dma_start3A_145] : memref<10000x128xf32, #tpu.memory_space<hbm>> -> memref<10000x128xf32, #tpu.memory_space<hbm>>
      tpu.enqueue_indirect_dma source(%dma_start3A_146 : memref<10000x128xf32, #tpu.memory_space<hbm>>) target(%arg11 : memref<128x128xf32, #tpu.memory_space<vmem>>) offsets(%dma_start3A_143 : memref<128xi32, #tpu.memory_space<vmem>>) semaphore(%arg13 : memref<!tpu.dma_semaphore, #tpu.memory_space<semaphore_mem>>)
      %dma_wait3A_147 = arith.constant 4 : i32
      %dma_wait3A_148 = arith.constant 0 : i32
      %dma_wait3A_149 = tpu.memref_slice %arg7[%dma_wait3A_147, %dma_wait3A_148] : memref<8x128xi32, #tpu.memory_space<vmem>> -> memref<1x128xi32, #tpu.memory_space<vmem>>
      %dma_wait3A_150 = tpu.memref_squeeze %dma_wait3A_149 : memref<1x128xi32, #tpu.memory_space<vmem>> -> memref<128xi32, #tpu.memory_space<vmem>>
      %dma_wait3A_151 = arith.constant 0 : i32
      %dma_wait3A_152 = arith.constant 0 : i32
      %dma_wait3A_153 = tpu.memref_slice %arg2[%dma_wait3A_151, %dma_wait3A_152] : memref<10000x128xf32, #tpu.memory_space<hbm>> -> memref<10000x128xf32, #tpu.memory_space<hbm>>
      tpu.wait_indirect_dma semaphore(%arg12 : memref<!tpu.dma_semaphore, #tpu.memory_space<semaphore_mem>>) src(%dma_wait3A_153 : memref<10000x128xf32, #tpu.memory_space<hbm>>) dst(%arg10 : memref<128x128xf32, #tpu.memory_space<vmem>>)
      %dma_start3A_154 = arith.constant 4 : i32
      %dma_start3A_155 = arith.constant 0 : i32
      %dma_start3A_156 = tpu.memref_slice %arg8[%dma_start3A_154, %dma_start3A_155] : memref<8x128xi32, #tpu.memory_space<vmem>> -> memref<1x128xi32, #tpu.memory_space<vmem>>
      %dma_start3A_157 = tpu.memref_squeeze %dma_start3A_156 : memref<1x128xi32, #tpu.memory_space<vmem>> -> memref<128xi32, #tpu.memory_space<vmem>>
      %dma_start3A_158 = arith.constant 0 : i32
      %dma_start3A_159 = arith.constant 0 : i32
      %dma_start3A_160 = tpu.memref_slice %arg9[%dma_start3A_158, %dma_start3A_159] : memref<10240x128xf32, #tpu.memory_space<vmem_shared>> -> memref<10240x128xf32, #tpu.memory_space<vmem_shared>>
      tpu.enqueue_indirect_dma source(%arg10 : memref<128x128xf32, #tpu.memory_space<vmem>>) target(%dma_start3A_160 : memref<10240x128xf32, #tpu.memory_space<vmem_shared>>) offsets(%dma_start3A_157 : memref<128xi32, #tpu.memory_space<vmem>>) semaphore(%arg14 : memref<!tpu.dma_semaphore, #tpu.memory_space<semaphore_mem>>) {add = true}
      %dma_wait3A_161 = arith.constant 4 : i32
      %dma_wait3A_162 = arith.constant 0 : i32
      %dma_wait3A_163 = tpu.memref_slice %arg8[%dma_wait3A_161, %dma_wait3A_162] : memref<8x128xi32, #tpu.memory_space<vmem>> -> memref<1x128xi32, #tpu.memory_space<vmem>>
      %dma_wait3A_164 = tpu.memref_squeeze %dma_wait3A_163 : memref<1x128xi32, #tpu.memory_space<vmem>> -> memref<128xi32, #tpu.memory_space<vmem>>
      %dma_wait3A_165 = arith.constant 0 : i32
      %dma_wait3A_166 = arith.constant 0 : i32
      %dma_wait3A_167 = tpu.memref_slice %arg9[%dma_wait3A_165, %dma_wait3A_166] : memref<10240x128xf32, #tpu.memory_space<vmem_shared>> -> memref<10240x128xf32, #tpu.memory_space<vmem_shared>>
      tpu.wait_indirect_dma semaphore(%arg14 : memref<!tpu.dma_semaphore, #tpu.memory_space<semaphore_mem>>) src(%arg10 : memref<128x128xf32, #tpu.memory_space<vmem>>) dst(%dma_wait3A_167 : memref<10240x128xf32, #tpu.memory_space<vmem_shared>>)
      %dma_start3A_168 = arith.constant 6 : i32
      %dma_start3A_169 = arith.constant 0 : i32
      %dma_start3A_170 = tpu.memref_slice %arg7[%dma_start3A_168, %dma_start3A_169] : memref<8x128xi32, #tpu.memory_space<vmem>> -> memref<1x128xi32, #tpu.memory_space<vmem>>
      %dma_start3A_171 = tpu.memref_squeeze %dma_start3A_170 : memref<1x128xi32, #tpu.memory_space<vmem>> -> memref<128xi32, #tpu.memory_space<vmem>>
      %dma_start3A_172 = arith.constant 0 : i32
      %dma_start3A_173 = arith.constant 0 : i32
      %dma_start3A_174 = tpu.memref_slice %arg2[%dma_start3A_172, %dma_start3A_173] : memref<10000x128xf32, #tpu.memory_space<hbm>> -> memref<10000x128xf32, #tpu.memory_space<hbm>>
      tpu.enqueue_indirect_dma source(%dma_start3A_174 : memref<10000x128xf32, #tpu.memory_space<hbm>>) target(%arg10 : memref<128x128xf32, #tpu.memory_space<vmem>>) offsets(%dma_start3A_171 : memref<128xi32, #tpu.memory_space<vmem>>) semaphore(%arg12 : memref<!tpu.dma_semaphore, #tpu.memory_space<semaphore_mem>>)
      %dma_wait3A_175 = arith.constant 5 : i32
      %dma_wait3A_176 = arith.constant 0 : i32
      %dma_wait3A_177 = tpu.memref_slice %arg7[%dma_wait3A_175, %dma_wait3A_176] : memref<8x128xi32, #tpu.memory_space<vmem>> -> memref<1x128xi32, #tpu.memory_space<vmem>>
      %dma_wait3A_178 = tpu.memref_squeeze %dma_wait3A_177 : memref<1x128xi32, #tpu.memory_space<vmem>> -> memref<128xi32, #tpu.memory_space<vmem>>
      %dma_wait3A_179 = arith.constant 0 : i32
      %dma_wait3A_180 = arith.constant 0 : i32
      %dma_wait3A_181 = tpu.memref_slice %arg2[%dma_wait3A_179, %dma_wait3A_180] : memref<10000x128xf32, #tpu.memory_space<hbm>> -> memref<10000x128xf32, #tpu.memory_space<hbm>>
      tpu.wait_indirect_dma semaphore(%arg13 : memref<!tpu.dma_semaphore, #tpu.memory_space<semaphore_mem>>) src(%dma_wait3A_181 : memref<10000x128xf32, #tpu.memory_space<hbm>>) dst(%arg11 : memref<128x128xf32, #tpu.memory_space<vmem>>)
      %dma_start3A_182 = arith.constant 5 : i32
      %dma_start3A_183 = arith.constant 0 : i32
      %dma_start3A_184 = tpu.memref_slice %arg8[%dma_start3A_182, %dma_start3A_183] : memref<8x128xi32, #tpu.memory_space<vmem>> -> memref<1x128xi32, #tpu.memory_space<vmem>>
      %dma_start3A_185 = tpu.memref_squeeze %dma_start3A_184 : memref<1x128xi32, #tpu.memory_space<vmem>> -> memref<128xi32, #tpu.memory_space<vmem>>
      %dma_start3A_186 = arith.constant 0 : i32
      %dma_start3A_187 = arith.constant 0 : i32
      %dma_start3A_188 = tpu.memref_slice %arg9[%dma_start3A_186, %dma_start3A_187] : memref<10240x128xf32, #tpu.memory_space<vmem_shared>> -> memref<10240x128xf32, #tpu.memory_space<vmem_shared>>
      tpu.enqueue_indirect_dma source(%arg11 : memref<128x128xf32, #tpu.memory_space<vmem>>) target(%dma_start3A_188 : memref<10240x128xf32, #tpu.memory_space<vmem_shared>>) offsets(%dma_start3A_185 : memref<128xi32, #tpu.memory_space<vmem>>) semaphore(%arg15 : memref<!tpu.dma_semaphore, #tpu.memory_space<semaphore_mem>>) {add = true}
      %dma_wait3A_189 = arith.constant 5 : i32
      %dma_wait3A_190 = arith.constant 0 : i32
      %dma_wait3A_191 = tpu.memref_slice %arg8[%dma_wait3A_189, %dma_wait3A_190] : memref<8x128xi32, #tpu.memory_space<vmem>> -> memref<1x128xi32, #tpu.memory_space<vmem>>
      %dma_wait3A_192 = tpu.memref_squeeze %dma_wait3A_191 : memref<1x128xi32, #tpu.memory_space<vmem>> -> memref<128xi32, #tpu.memory_space<vmem>>
      %dma_wait3A_193 = arith.constant 0 : i32
      %dma_wait3A_194 = arith.constant 0 : i32
      %dma_wait3A_195 = tpu.memref_slice %arg9[%dma_wait3A_193, %dma_wait3A_194] : memref<10240x128xf32, #tpu.memory_space<vmem_shared>> -> memref<10240x128xf32, #tpu.memory_space<vmem_shared>>
      tpu.wait_indirect_dma semaphore(%arg15 : memref<!tpu.dma_semaphore, #tpu.memory_space<semaphore_mem>>) src(%arg11 : memref<128x128xf32, #tpu.memory_space<vmem>>) dst(%dma_wait3A_195 : memref<10240x128xf32, #tpu.memory_space<vmem_shared>>)
      %dma_start3A_196 = arith.constant 7 : i32
      %dma_start3A_197 = arith.constant 0 : i32
      %dma_start3A_198 = tpu.memref_slice %arg7[%dma_start3A_196, %dma_start3A_197] : memref<8x128xi32, #tpu.memory_space<vmem>> -> memref<1x128xi32, #tpu.memory_space<vmem>>
      %dma_start3A_199 = tpu.memref_squeeze %dma_start3A_198 : memref<1x128xi32, #tpu.memory_space<vmem>> -> memref<128xi32, #tpu.memory_space<vmem>>
      %dma_start3A_200 = arith.constant 0 : i32
      %dma_start3A_201 = arith.constant 0 : i32
      %dma_start3A_202 = tpu.memref_slice %arg2[%dma_start3A_200, %dma_start3A_201] : memref<10000x128xf32, #tpu.memory_space<hbm>> -> memref<10000x128xf32, #tpu.memory_space<hbm>>
      tpu.enqueue_indirect_dma source(%dma_start3A_202 : memref<10000x128xf32, #tpu.memory_space<hbm>>) target(%arg11 : memref<128x128xf32, #tpu.memory_space<vmem>>) offsets(%dma_start3A_199 : memref<128xi32, #tpu.memory_space<vmem>>) semaphore(%arg13 : memref<!tpu.dma_semaphore, #tpu.memory_space<semaphore_mem>>)
      %dma_wait3A_203 = arith.constant 6 : i32
      %dma_wait3A_204 = arith.constant 0 : i32
      %dma_wait3A_205 = tpu.memref_slice %arg7[%dma_wait3A_203, %dma_wait3A_204] : memref<8x128xi32, #tpu.memory_space<vmem>> -> memref<1x128xi32, #tpu.memory_space<vmem>>
      %dma_wait3A_206 = tpu.memref_squeeze %dma_wait3A_205 : memref<1x128xi32, #tpu.memory_space<vmem>> -> memref<128xi32, #tpu.memory_space<vmem>>
      %dma_wait3A_207 = arith.constant 0 : i32
      %dma_wait3A_208 = arith.constant 0 : i32
      %dma_wait3A_209 = tpu.memref_slice %arg2[%dma_wait3A_207, %dma_wait3A_208] : memref<10000x128xf32, #tpu.memory_space<hbm>> -> memref<10000x128xf32, #tpu.memory_space<hbm>>
      tpu.wait_indirect_dma semaphore(%arg12 : memref<!tpu.dma_semaphore, #tpu.memory_space<semaphore_mem>>) src(%dma_wait3A_209 : memref<10000x128xf32, #tpu.memory_space<hbm>>) dst(%arg10 : memref<128x128xf32, #tpu.memory_space<vmem>>)
      %dma_start3A_210 = arith.constant 6 : i32
      %dma_start3A_211 = arith.constant 0 : i32
      %dma_start3A_212 = tpu.memref_slice %arg8[%dma_start3A_210, %dma_start3A_211] : memref<8x128xi32, #tpu.memory_space<vmem>> -> memref<1x128xi32, #tpu.memory_space<vmem>>
      %dma_start3A_213 = tpu.memref_squeeze %dma_start3A_212 : memref<1x128xi32, #tpu.memory_space<vmem>> -> memref<128xi32, #tpu.memory_space<vmem>>
      %dma_start3A_214 = arith.constant 0 : i32
      %dma_start3A_215 = arith.constant 0 : i32
      %dma_start3A_216 = tpu.memref_slice %arg9[%dma_start3A_214, %dma_start3A_215] : memref<10240x128xf32, #tpu.memory_space<vmem_shared>> -> memref<10240x128xf32, #tpu.memory_space<vmem_shared>>
      tpu.enqueue_indirect_dma source(%arg10 : memref<128x128xf32, #tpu.memory_space<vmem>>) target(%dma_start3A_216 : memref<10240x128xf32, #tpu.memory_space<vmem_shared>>) offsets(%dma_start3A_213 : memref<128xi32, #tpu.memory_space<vmem>>) semaphore(%arg14 : memref<!tpu.dma_semaphore, #tpu.memory_space<semaphore_mem>>) {add = true}
      %dma_wait3A_217 = arith.constant 7 : i32
      %dma_wait3A_218 = arith.constant 0 : i32
      %dma_wait3A_219 = tpu.memref_slice %arg7[%dma_wait3A_217, %dma_wait3A_218] : memref<8x128xi32, #tpu.memory_space<vmem>> -> memref<1x128xi32, #tpu.memory_space<vmem>>
      %dma_wait3A_220 = tpu.memref_squeeze %dma_wait3A_219 : memref<1x128xi32, #tpu.memory_space<vmem>> -> memref<128xi32, #tpu.memory_space<vmem>>
      %dma_wait3A_221 = arith.constant 0 : i32
      %dma_wait3A_222 = arith.constant 0 : i32
      %dma_wait3A_223 = tpu.memref_slice %arg2[%dma_wait3A_221, %dma_wait3A_222] : memref<10000x128xf32, #tpu.memory_space<hbm>> -> memref<10000x128xf32, #tpu.memory_space<hbm>>
      tpu.wait_indirect_dma semaphore(%arg13 : memref<!tpu.dma_semaphore, #tpu.memory_space<semaphore_mem>>) src(%dma_wait3A_223 : memref<10000x128xf32, #tpu.memory_space<hbm>>) dst(%arg11 : memref<128x128xf32, #tpu.memory_space<vmem>>)
      %dma_start3A_224 = arith.constant 7 : i32
      %dma_start3A_225 = arith.constant 0 : i32
      %dma_start3A_226 = tpu.memref_slice %arg8[%dma_start3A_224, %dma_start3A_225] : memref<8x128xi32, #tpu.memory_space<vmem>> -> memref<1x128xi32, #tpu.memory_space<vmem>>
      %dma_start3A_227 = tpu.memref_squeeze %dma_start3A_226 : memref<1x128xi32, #tpu.memory_space<vmem>> -> memref<128xi32, #tpu.memory_space<vmem>>
      %dma_start3A_228 = arith.constant 0 : i32
      %dma_start3A_229 = arith.constant 0 : i32
      %dma_start3A_230 = tpu.memref_slice %arg9[%dma_start3A_228, %dma_start3A_229] : memref<10240x128xf32, #tpu.memory_space<vmem_shared>> -> memref<10240x128xf32, #tpu.memory_space<vmem_shared>>
      tpu.enqueue_indirect_dma source(%arg11 : memref<128x128xf32, #tpu.memory_space<vmem>>) target(%dma_start3A_230 : memref<10240x128xf32, #tpu.memory_space<vmem_shared>>) offsets(%dma_start3A_227 : memref<128xi32, #tpu.memory_space<vmem>>) semaphore(%arg15 : memref<!tpu.dma_semaphore, #tpu.memory_space<semaphore_mem>>) {add = true}
      %dma_wait3A_231 = arith.constant 6 : i32
      %dma_wait3A_232 = arith.constant 0 : i32
      %dma_wait3A_233 = tpu.memref_slice %arg8[%dma_wait3A_231, %dma_wait3A_232] : memref<8x128xi32, #tpu.memory_space<vmem>> -> memref<1x128xi32, #tpu.memory_space<vmem>>
      %dma_wait3A_234 = tpu.memref_squeeze %dma_wait3A_233 : memref<1x128xi32, #tpu.memory_space<vmem>> -> memref<128xi32, #tpu.memory_space<vmem>>
      %dma_wait3A_235 = arith.constant 0 : i32
      %dma_wait3A_236 = arith.constant 0 : i32
      %dma_wait3A_237 = tpu.memref_slice %arg9[%dma_wait3A_235, %dma_wait3A_236] : memref<10240x128xf32, #tpu.memory_space<vmem_shared>> -> memref<10240x128xf32, #tpu.memory_space<vmem_shared>>
      tpu.wait_indirect_dma semaphore(%arg14 : memref<!tpu.dma_semaphore, #tpu.memory_space<semaphore_mem>>) src(%arg10 : memref<128x128xf32, #tpu.memory_space<vmem>>) dst(%dma_wait3A_237 : memref<10240x128xf32, #tpu.memory_space<vmem_shared>>)
      %dma_wait3A_238 = arith.constant 7 : i32
      %dma_wait3A_239 = arith.constant 0 : i32
      %dma_wait3A_240 = tpu.memref_slice %arg8[%dma_wait3A_238, %dma_wait3A_239] : memref<8x128xi32, #tpu.memory_space<vmem>> -> memref<1x128xi32, #tpu.memory_space<vmem>>
      %dma_wait3A_241 = tpu.memref_squeeze %dma_wait3A_240 : memref<1x128xi32, #tpu.memory_space<vmem>> -> memref<128xi32, #tpu.memory_space<vmem>>
      %dma_wait3A_242 = arith.constant 0 : i32
      %dma_wait3A_243 = arith.constant 0 : i32
      %dma_wait3A_244 = tpu.memref_slice %arg9[%dma_wait3A_242, %dma_wait3A_243] : memref<10240x128xf32, #tpu.memory_space<vmem_shared>> -> memref<10240x128xf32, #tpu.memory_space<vmem_shared>>
      tpu.wait_indirect_dma semaphore(%arg15 : memref<!tpu.dma_semaphore, #tpu.memory_space<semaphore_mem>>) src(%arg11 : memref<128x128xf32, #tpu.memory_space<vmem>>) dst(%dma_wait3A_244 : memref<10240x128xf32, #tpu.memory_space<vmem_shared>>)
    }
    %scan3A_9 = arith.constant 10 : i32
    %barrier3A_10 = arith.constant 0 : index
    tpu.barrier barrier_id(%barrier3A_10)
    %mul3A_11 = arith.constant 640 : i32
    %mul3A_12 = arith.muli %arg1, %mul3A_11 : i32
    %mul3A_13 = arith.constant 640 : i32
    %mul3A_14 = arith.muli %arg1, %mul3A_13 : i32
    "tpu.region"() ({
      %run_scoped3A = tpu.sem_alloc : memref<!tpu.dma_semaphore, #tpu.memory_space<semaphore_mem>>
      %dma_start3A_15 = arith.constant 0 : i32
      %dma_start3A_16 = tpu.memref_slice %arg6[%arg0, %mul3A_14, %dma_start3A_15] : memref<2x10240x128xf32, #tpu.memory_space<hbm>> -> memref<1x640x128xf32, #tpu.memory_space<hbm>>
      %dma_start3A_17 = tpu.memref_squeeze %dma_start3A_16 : memref<1x640x128xf32, #tpu.memory_space<hbm>> -> memref<640x128xf32, #tpu.memory_space<hbm>>
      %dma_start3A_18 = arith.constant 0 : i32
      %dma_start3A_19 = tpu.memref_slice %arg9[%mul3A_12, %dma_start3A_18] : memref<10240x128xf32, #tpu.memory_space<vmem_shared>> -> memref<640x128xf32, #tpu.memory_space<vmem_shared>>
      tpu.enqueue_dma source(%dma_start3A_19 : memref<640x128xf32, #tpu.memory_space<vmem_shared>>) target(%dma_start3A_17 : memref<640x128xf32, #tpu.memory_space<hbm>>) target_semaphore(%run_scoped3A : memref<!tpu.dma_semaphore, #tpu.memory_space<semaphore_mem>>)
      %dma_wait3A_20 = arith.constant 0 : i32
      %dma_wait3A_21 = tpu.memref_slice %arg6[%arg0, %mul3A_14, %dma_wait3A_20] : memref<2x10240x128xf32, #tpu.memory_space<hbm>> -> memref<1x640x128xf32, #tpu.memory_space<hbm>>
      %dma_wait3A_22 = tpu.memref_squeeze %dma_wait3A_21 : memref<1x640x128xf32, #tpu.memory_space<hbm>> -> memref<640x128xf32, #tpu.memory_space<hbm>>
      %dma_wait3A_23 = arith.constant 0 : i32
      %dma_wait3A_24 = tpu.memref_slice %arg9[%mul3A_12, %dma_wait3A_23] : memref<10240x128xf32, #tpu.memory_space<vmem_shared>> -> memref<640x128xf32, #tpu.memory_space<vmem_shared>>
      tpu.wait_dma2 semaphore(%run_scoped3A : memref<!tpu.dma_semaphore, #tpu.memory_space<semaphore_mem>>) src(%dma_wait3A_24 : memref<640x128xf32, #tpu.memory_space<vmem_shared>>) dst(%dma_wait3A_22 : memref<640x128xf32, #tpu.memory_space<hbm>>)
      tpu.yield
    }) : () -> ()
    return
  }
}

module attributes {stable_mosaic.version = 14 : i64} {
  func.func @_mlp_body(%arg0: i32, %arg1: memref<1000x128xf32, #tpu.memory_space<vmem>>, %arg2: memref<1x1000x128xf32, #tpu.memory_space<vmem>>, %arg3: memref<1x1000x128xf32, #tpu.memory_space<vmem>>, %arg4: memref<128x128xf32, #tpu.memory_space<vmem>>, %arg5: memref<1x128xf32, #tpu.memory_space<vmem>>, %arg6: memref<128x128xf32, #tpu.memory_space<vmem>>, %arg7: memref<1x128xf32, #tpu.memory_space<vmem>>, %arg8: memref<1000x128xf32, #tpu.memory_space<vmem>>) attributes {dimension_semantics = [#tpu.dimension_semantics<arbitrary>], iteration_bounds = array<i64: 10>, scalar_prefetch = 0 : i64, scratch_operands = 0 : i64, tpu.core_type = #tpu.core_type<tc>, window_params = [{transform_indices = @transform_0, window_bounds = array<i64: 1000, 128>}, {transform_indices = @transform_1, window_bounds = array<i64: 1, 1000, 128>}, {transform_indices = @transform_2, window_bounds = array<i64: 1, 1000, 128>}, {pipeline_mode = #tpu.pipeline_mode<synchronous>, transform_indices = @transform_3, window_bounds = array<i64: 128, 128>}, {pipeline_mode = #tpu.pipeline_mode<synchronous>, transform_indices = @transform_4, window_bounds = array<i64: 1, 128>}, {pipeline_mode = #tpu.pipeline_mode<synchronous>, transform_indices = @transform_5, window_bounds = array<i64: 128, 128>}, {pipeline_mode = #tpu.pipeline_mode<synchronous>, transform_indices = @transform_6, window_bounds = array<i64: 1, 128>}, {transform_indices = @transform_7, window_bounds = array<i64: 1000, 128>}]} {
    %get3A = arith.constant 0 : index
    %get3A_0 = arith.constant 0 : index
    %get3A_1 = vector.load %arg1[%get3A, %get3A_0] : memref<1000x128xf32, #tpu.memory_space<vmem>>, vector<1000x128xf32>
    %get3A_2 = arith.constant 0 : index
    %get3A_3 = arith.constant 0 : index
    %get3A_4 = arith.constant 0 : index
    %get3A_5 = vector.load %arg2[%get3A_2, %get3A_3, %get3A_4] : memref<1x1000x128xf32, #tpu.memory_space<vmem>>, vector<1x1000x128xf32>
    %get3A_6 = vector.shape_cast %get3A_5 : vector<1x1000x128xf32> to vector<1000x128xf32>
    %add3A = arith.addf %get3A_1, %get3A_6 : vector<1000x128xf32>
    %get3A_7 = arith.constant 0 : index
    %get3A_8 = arith.constant 0 : index
    %get3A_9 = arith.constant 0 : index
    %get3A_10 = vector.load %arg3[%get3A_7, %get3A_8, %get3A_9] : memref<1x1000x128xf32, #tpu.memory_space<vmem>>, vector<1x1000x128xf32>
    %get3A_11 = vector.shape_cast %get3A_10 : vector<1x1000x128xf32> to vector<1000x128xf32>
    %add3A_12 = arith.addf %add3A, %get3A_11 : vector<1000x128xf32>
    %get3A_13 = arith.constant 0 : index
    %get3A_14 = arith.constant 0 : index
    %get3A_15 = vector.load %arg4[%get3A_13, %get3A_14] : memref<128x128xf32, #tpu.memory_space<vmem>>, vector<128x128xf32>
    %dot_general3A = arith.constant dense<0.000000e+00> : vector<1000x128xf32>
    %dot_general3A_16 = tpu.matmul %add3A_12, %get3A_15, %dot_general3A {dimension_numbers = #tpu.dot_dimension_numbers<[1], [0], [0], [1], [0, 0, 1, 1], [], []>, transpose_lhs_hint = false} : vector<1000x128xf32>, vector<128x128xf32>, vector<1000x128xf32> -> vector<1000x128xf32>
    %get3A_17 = arith.constant 0 : index
    %get3A_18 = arith.constant 0 : index
    %get3A_19 = vector.load %arg5[%get3A_17, %get3A_18] : memref<1x128xf32, #tpu.memory_space<vmem>>, vector<1x128xf32>
    %add3A_20 = vector.broadcast %get3A_19 : vector<1x128xf32> to vector<1000x128xf32>
    %add3A_21 = arith.addf %dot_general3A_16, %add3A_20 : vector<1000x128xf32>
    %max3A = arith.constant 0.000000e+00 : f32
    %max3A_22 = vector.broadcast %max3A : f32 to vector<1000x128xf32>
    %max3A_23 = arith.maximumf %add3A_21, %max3A_22 : vector<1000x128xf32>
    %get3A_24 = arith.constant 0 : index
    %get3A_25 = arith.constant 0 : index
    %get3A_26 = vector.load %arg6[%get3A_24, %get3A_25] : memref<128x128xf32, #tpu.memory_space<vmem>>, vector<128x128xf32>
    %dot_general3A_27 = arith.constant dense<0.000000e+00> : vector<1000x128xf32>
    %dot_general3A_28 = tpu.matmul %max3A_23, %get3A_26, %dot_general3A_27 {dimension_numbers = #tpu.dot_dimension_numbers<[1], [0], [0], [1], [0, 0, 1, 1], [], []>, transpose_lhs_hint = false} : vector<1000x128xf32>, vector<128x128xf32>, vector<1000x128xf32> -> vector<1000x128xf32>
    %get3A_29 = arith.constant 0 : index
    %get3A_30 = arith.constant 0 : index
    %get3A_31 = vector.load %arg7[%get3A_29, %get3A_30] : memref<1x128xf32, #tpu.memory_space<vmem>>, vector<1x128xf32>
    %add3A_32 = vector.broadcast %get3A_31 : vector<1x128xf32> to vector<1000x128xf32>
    %add3A_33 = arith.addf %dot_general3A_28, %add3A_32 : vector<1000x128xf32>
    %max3A_34 = arith.constant 0.000000e+00 : f32
    %max3A_35 = vector.broadcast %max3A_34 : f32 to vector<1000x128xf32>
    %max3A_36 = arith.maximumf %add3A_33, %max3A_35 : vector<1000x128xf32>
    %swap3A = arith.constant 0 : index
    %swap3A_37 = arith.constant 0 : index
    %swap3A_38 = vector.load %arg8[%swap3A, %swap3A_37] : memref<1000x128xf32, #tpu.memory_space<vmem>>, vector<1000x128xf32>
    tpu.vector_store %arg8[%swap3A, %swap3A_37], %max3A_36 {strides = array<i32>} : memref<1000x128xf32, #tpu.memory_space<vmem>>, vector<1000x128xf32>,
    return
  }
  func.func @transform_0(%arg0: i32) -> (i32, i32) {
    %c0_i32 = arith.constant 0 : i32
    %c0_i32_0 = arith.constant 0 : i32
    return %arg0, %c0_i32 : i32, i32
  }
  func.func @transform_1(%arg0: i32) -> (i32, i32, i32) {
    %c0_i32 = arith.constant 0 : i32
    %c0_i32_0 = arith.constant 0 : i32
    %c0_i32_1 = arith.constant 0 : i32
    return %c0_i32, %arg0, %c0_i32_0 : i32, i32, i32
  }
  func.func @transform_2(%arg0: i32) -> (i32, i32, i32) {
    %c1_i32 = arith.constant 1 : i32
    %c0_i32 = arith.constant 0 : i32
    %c0_i32_0 = arith.constant 0 : i32
    return %c1_i32, %arg0, %c0_i32 : i32, i32, i32
  }
  func.func @transform_3(%arg0: i32) -> (i32, i32) {
    %c0_i32 = arith.constant 0 : i32
    %c0_i32_0 = arith.constant 0 : i32
    %c0_i32_1 = arith.constant 0 : i32
    return %c0_i32, %c0_i32_0 : i32, i32
  }
  func.func @transform_4(%arg0: i32) -> (i32, i32) {
    %c0_i32 = arith.constant 0 : i32
    %c0_i32_0 = arith.constant 0 : i32
    %c0_i32_1 = arith.constant 0 : i32
    return %c0_i32, %c0_i32_0 : i32, i32
  }
  func.func @transform_5(%arg0: i32) -> (i32, i32) {
    %c0_i32 = arith.constant 0 : i32
    %c0_i32_0 = arith.constant 0 : i32
    %c0_i32_1 = arith.constant 0 : i32
    return %c0_i32, %c0_i32_0 : i32, i32
  }
  func.func @transform_6(%arg0: i32) -> (i32, i32) {
    %c0_i32 = arith.constant 0 : i32
    %c0_i32_0 = arith.constant 0 : i32
    %c0_i32_1 = arith.constant 0 : i32
    return %c0_i32, %c0_i32_0 : i32, i32
  }
  func.func @transform_7(%arg0: i32) -> (i32, i32) {
    %c0_i32 = arith.constant 0 : i32
    %c0_i32_0 = arith.constant 0 : i32
    return %arg0, %c0_i32 : i32, i32
  }
}

module attributes {stable_mosaic.version = 14 : i64} {
  func.func @_mlp_body(%arg0: i32, %arg1: memref<1000x128xf32, #tpu.memory_space<vmem>>, %arg2: memref<1x1000x128xf32, #tpu.memory_space<vmem>>, %arg3: memref<1x1000x128xf32, #tpu.memory_space<vmem>>, %arg4: memref<128x128xf32, #tpu.memory_space<vmem>>, %arg5: memref<1x128xf32, #tpu.memory_space<vmem>>, %arg6: memref<128x128xf32, #tpu.memory_space<vmem>>, %arg7: memref<1x128xf32, #tpu.memory_space<vmem>>, %arg8: memref<1000x128xf32, #tpu.memory_space<vmem>>) attributes {dimension_semantics = [#tpu.dimension_semantics<arbitrary>], iteration_bounds = array<i64: 10>, scalar_prefetch = 0 : i64, scratch_operands = 0 : i64, tpu.core_type = #tpu.core_type<tc>, window_params = [{transform_indices = @transform_0, window_bounds = array<i64: 1000, 128>}, {transform_indices = @transform_1, window_bounds = array<i64: 1, 1000, 128>}, {transform_indices = @transform_2, window_bounds = array<i64: 1, 1000, 128>}, {pipeline_mode = #tpu.pipeline_mode<synchronous>, transform_indices = @transform_3, window_bounds = array<i64: 128, 128>}, {pipeline_mode = #tpu.pipeline_mode<synchronous>, transform_indices = @transform_4, window_bounds = array<i64: 1, 128>}, {pipeline_mode = #tpu.pipeline_mode<synchronous>, transform_indices = @transform_5, window_bounds = array<i64: 128, 128>}, {pipeline_mode = #tpu.pipeline_mode<synchronous>, transform_indices = @transform_6, window_bounds = array<i64: 1, 128>}, {transform_indices = @transform_7, window_bounds = array<i64: 1000, 128>}]} {
    %get3A = arith.constant 0 : index
    %get3A_0 = arith.constant 0 : index
    %get3A_1 = vector.load %arg1[%get3A, %get3A_0] : memref<1000x128xf32, #tpu.memory_space<vmem>>, vector<1000x128xf32>
    %get3A_2 = arith.constant 0 : index
    %get3A_3 = arith.constant 0 : index
    %get3A_4 = arith.constant 0 : index
    %get3A_5 = vector.load %arg2[%get3A_2, %get3A_3, %get3A_4] : memref<1x1000x128xf32, #tpu.memory_space<vmem>>, vector<1x1000x128xf32>
    %get3A_6 = vector.shape_cast %get3A_5 : vector<1x1000x128xf32> to vector<1000x128xf32>
    %add3A = arith.addf %get3A_1, %get3A_6 : vector<1000x128xf32>
    %get3A_7 = arith.constant 0 : index
    %get3A_8 = arith.constant 0 : index
    %get3A_9 = arith.constant 0 : index
    %get3A_10 = vector.load %arg3[%get3A_7, %get3A_8, %get3A_9] : memref<1x1000x128xf32, #tpu.memory_space<vmem>>, vector<1x1000x128xf32>
    %get3A_11 = vector.shape_cast %get3A_10 : vector<1x1000x128xf32> to vector<1000x128xf32>
    %add3A_12 = arith.addf %add3A, %get3A_11 : vector<1000x128xf32>
    %get3A_13 = arith.constant 0 : index
    %get3A_14 = arith.constant 0 : index
    %get3A_15 = vector.load %arg4[%get3A_13, %get3A_14] : memref<128x128xf32, #tpu.memory_space<vmem>>, vector<128x128xf32>
    %dot_general3A = arith.constant dense<0.000000e+00> : vector<1000x128xf32>
    %dot_general3A_16 = tpu.matmul %add3A_12, %get3A_15, %dot_general3A {dimension_numbers = #tpu.dot_dimension_numbers<[1], [0], [0], [1], [0, 0, 1, 1], [], []>, transpose_lhs_hint = false} : vector<1000x128xf32>, vector<128x128xf32>, vector<1000x128xf32> -> vector<1000x128xf32>
    %get3A_17 = arith.constant 0 : index
    %get3A_18 = arith.constant 0 : index
    %get3A_19 = vector.load %arg5[%get3A_17, %get3A_18] : memref<1x128xf32, #tpu.memory_space<vmem>>, vector<1x128xf32>
    %add3A_20 = vector.broadcast %get3A_19 : vector<1x128xf32> to vector<1000x128xf32>
    %add3A_21 = arith.addf %dot_general3A_16, %add3A_20 : vector<1000x128xf32>
    %max3A = arith.constant 0.000000e+00 : f32
    %max3A_22 = vector.broadcast %max3A : f32 to vector<1000x128xf32>
    %max3A_23 = arith.maximumf %add3A_21, %max3A_22 : vector<1000x128xf32>
    %get3A_24 = arith.constant 0 : index
    %get3A_25 = arith.constant 0 : index
    %get3A_26 = vector.load %arg6[%get3A_24, %get3A_25] : memref<128x128xf32, #tpu.memory_space<vmem>>, vector<128x128xf32>
    %dot_general3A_27 = arith.constant dense<0.000000e+00> : vector<1000x128xf32>
    %dot_general3A_28 = tpu.matmul %max3A_23, %get3A_26, %dot_general3A_27 {dimension_numbers = #tpu.dot_dimension_numbers<[1], [0], [0], [1], [0, 0, 1, 1], [], []>, transpose_lhs_hint = false} : vector<1000x128xf32>, vector<128x128xf32>, vector<1000x128xf32> -> vector<1000x128xf32>
    %get3A_29 = arith.constant 0 : index
    %get3A_30 = arith.constant 0 : index
    %get3A_31 = vector.load %arg7[%get3A_29, %get3A_30] : memref<1x128xf32, #tpu.memory_space<vmem>>, vector<1x128xf32>
    %add3A_32 = vector.broadcast %get3A_31 : vector<1x128xf32> to vector<1000x128xf32>
    %add3A_33 = arith.addf %dot_general3A_28, %add3A_32 : vector<1000x128xf32>
    %swap3A = arith.constant 0 : index
    %swap3A_34 = arith.constant 0 : index
    %swap3A_35 = vector.load %arg8[%swap3A, %swap3A_34] : memref<1000x128xf32, #tpu.memory_space<vmem>>, vector<1000x128xf32>
    tpu.vector_store %arg8[%swap3A, %swap3A_34], %add3A_33 {strides = array<i32>} : memref<1000x128xf32, #tpu.memory_space<vmem>>, vector<1000x128xf32>,
    return
  }
  func.func @transform_0(%arg0: i32) -> (i32, i32) {
    %c0_i32 = arith.constant 0 : i32
    %c0_i32_0 = arith.constant 0 : i32
    return %arg0, %c0_i32 : i32, i32
  }
  func.func @transform_1(%arg0: i32) -> (i32, i32, i32) {
    %c0_i32 = arith.constant 0 : i32
    %c0_i32_0 = arith.constant 0 : i32
    %c0_i32_1 = arith.constant 0 : i32
    return %c0_i32, %arg0, %c0_i32_0 : i32, i32, i32
  }
  func.func @transform_2(%arg0: i32) -> (i32, i32, i32) {
    %c1_i32 = arith.constant 1 : i32
    %c0_i32 = arith.constant 0 : i32
    %c0_i32_0 = arith.constant 0 : i32
    return %c1_i32, %arg0, %c0_i32 : i32, i32, i32
  }
  func.func @transform_3(%arg0: i32) -> (i32, i32) {
    %c0_i32 = arith.constant 0 : i32
    %c0_i32_0 = arith.constant 0 : i32
    %c0_i32_1 = arith.constant 0 : i32
    return %c0_i32, %c0_i32_0 : i32, i32
  }
  func.func @transform_4(%arg0: i32) -> (i32, i32) {
    %c0_i32 = arith.constant 0 : i32
    %c0_i32_0 = arith.constant 0 : i32
    %c0_i32_1 = arith.constant 0 : i32
    return %c0_i32, %c0_i32_0 : i32, i32
  }
  func.func @transform_5(%arg0: i32) -> (i32, i32) {
    %c0_i32 = arith.constant 0 : i32
    %c0_i32_0 = arith.constant 0 : i32
    %c0_i32_1 = arith.constant 0 : i32
    return %c0_i32, %c0_i32_0 : i32, i32
  }
  func.func @transform_6(%arg0: i32) -> (i32, i32) {
    %c0_i32 = arith.constant 0 : i32
    %c0_i32_0 = arith.constant 0 : i32
    %c0_i32_1 = arith.constant 0 : i32
    return %c0_i32, %c0_i32_0 : i32, i32
  }
  func.func @transform_7(%arg0: i32) -> (i32, i32) {
    %c0_i32 = arith.constant 0 : i32
    %c0_i32_0 = arith.constant 0 : i32
    return %arg0, %c0_i32 : i32, i32
  }
}

</mosaic_0001>

<sc_bundles>
// kernel: kernel.6.cloned.1.call-start
scs
__scs_entry_jumppad:
0x0: {  	(pc) =	sbr.rel $0x88, $3  }
0x1: {  	(tag) =	ssettag $0x0;
	lr =	simm.s32 $0x1  }
0x2: {  	[smem:$0x3F97] =	sst lr;
	_ =	strace $0xD0000000  }
0x3: {  	_ = 	snop  }
0x4: {  	_ = 	snop  }
0x5: {  	_ = 	snop  }
0x6: {  	_ = 	snop  }
0x7: {  	_ = 	snop  }
__scs_overlays_trampoline_lowered:
0x8: {  	[smem:$0x3FA6] =	sst s0  }
0x9: {  	[smem:$0x3FA7] =	sst s1  }
0xa: {  	[smem:$0x3FA8] =	sst s2  }
0xb: {  	[smem:$0x3FA9] =	sst s3  }
0xc: {  	[smem:$0x3FAA] =	sst s4  }
0xd: {  	[smem:$0x3FAB] =	sst s5  }
0xe: {  	[smem:$0x3FAC] =	sst s6  }
0xf: {  	[smem:$0x3FAD] =	sst s7  }
0x10: {  	[smem:$0x3FAE] =	sst s8  }
0x11: {  	[smem:$0x3FAF] =	sst s9;
	s0 =	simm.s32 @!p0 $0x0  }
0x12: {  	s1 =	sld [smem:$0x3F95];
	s0 =	simm.s32 @p0 $0x1  }
0x13: {  	[smem:$0x3FB0] =	sst s0;
	s0 =	simm.s32 @!p1 $0x0  }
0x14: {  	s2 =	sld [smem:$0x3F94];
	s0 =	simm.s32 @p1 $0x1  }
0x15: {  	[smem:$0x3FB1] =	sst s0;
	s0 =	simm.s32 @!p2 $0x0  }
0x16: {  	s3 =	sld [smem:$0x3FDB];
	s0 =	simm.s32 @p2 $0x1  }
0x17: {  	s4 =	simm.s32 $0x1BF5;
	[smem:$0x3FB3] =	sst s0  }
0x18: {  	s0 =	sld [smem:$0x3F96];
	_ =	swait.ge [sflag:s4], $0x0  }
0x19: {  	s7 =	sld [smem:$0x3F97]  }
0x1a: {  	s8 =	sadd.s32 $0xFFFFE003, lr  }
0x1b: {  	s9 =	sadd.s32 $0xFFFFFEF7, lr;
	s5 =	simm.s32 $0xFFFFFFFF;
	p2 =	slt.u32 s8, $0xFFFFF086  }
0x1c: {  	p1 =	slt.u32 s9, $0xF7A;
	s5 =	simm.s32 @!p2 $0x0  }
0x1d: {  	s5 =	simm.s32 @p1 $0x1;
	p0 =	seq.s32 s7, s2  }
0x1e: {  	s7 =	smul.u32 @!p0 $0xF7A, s2;
	p2 =	seq.s32 @!p0 s5, $0x0  }
0x1f: {  	s9 =	smul.u32 $0xF7A, s1;
	s8 =	simm.s32 @!p0 $0x1BF5;
	p2 =	por !p2, p0  }
0x20: {  	[sflag:s8] =	ssyncset.s32 @!p0 $0xFFFFF086;
	s6 =	sadd.s32 @!p0 s3, s7;
	s7 =	simm.s32 @!p0 $0x108  }
0x21: {  	s3 =	sadd.s32 s3, s9;
	s6 =	sadd.s32 @!p0 $0x88, s6;
	s7 =	simm.s32 @p2 $0x1082  }
0x22: {  	[simem:s7], [sflag:s8] =	dma.local @!p0 [hbm:s6], $0xF7A  }
0x23: {  	s9 =	sor.u32 $0xD0000000, s2;
	s6 =	simm.s32 $0x108;
	_ =	swait.ge @!p0 [sflag:s8], $0x0  }
0x24: {  	s3 =	sadd.s32 $0x88, s3;
	s6 =	simm.s32 @!p1 $0x1082;
	[sflag:s4] =	ssyncset.s32 $0xFFFFF086  }
0x25: {  	[simem:s6], [sflag:s4] =	dma.local [hbm:s3], $0xF7A  }
0x26: {  	[smem:$0x3F97] =	sst s1;
	(tag) =	ssettag s2;
	_ =	strace s9  }
0x27: {  	s1 =	sld [smem:$0x3FA7]  }
0x28: {  	s2 =	sld [smem:$0x3FA8]  }
0x29: {  	s4 =	sld [smem:$0x3FAA]  }
0x2a: {  	p0 =	seq.s32 s5, $0x0;
	s5 =	sld [smem:$0x3FAB]  }
0x2b: {  	s6 =	sld [smem:$0x3FAC]  }
0x2c: {  	s7 =	sld [smem:$0x3FAD]  }
0x2d: {  	s3 =	simm.s32 $0x108;
	s8 =	sld [smem:$0x3FAE]  }
0x2e: {  	s3 =	simm.s32 @!p0 $0x1082;
	s9 =	sld [smem:$0x3FAF]  }
0x2f: {  	lr =	sadd.s32 s0, s3;
	s0 =	sld [smem:$0x3FA6]  }
0x30: {  	s3 =	sld [smem:$0x3FA9]  }
0x31: {  	[smem:$0x3FB2] =	sst s10  }
0x32: {  	s10 =	sld [smem:$0x3FB0];
	_ =	sdelay $0x3  }
0x33: {  	p0 =	seq.s32 s10, $0x1;
	s10 =	sld [smem:$0x3FB2];
	_ =	sdelay $0x3  }
0x34: {  	[smem:$0x3FB2] =	sst s10  }
0x35: {  	s10 =	sld [smem:$0x3FB1];
	_ =	sdelay $0x3  }
0x36: {  	p1 =	seq.s32 s10, $0x1;
	s10 =	sld [smem:$0x3FB2];
	_ =	sdelay $0x3  }
0x37: {  	[smem:$0x3FB2] =	sst s10  }
0x38: {  	s10 =	sld [smem:$0x3FB3]  }
0x39: {  	_ = 	snop;
	(pc) =	sbr.ind lr, $3  }
0x3a: {  	_ = 	snop  }
0x3b: {  	_ = 	snop  }
0x3c: {  	p2 =	seq.s32 s10, $0x1;
	s10 =	sld [smem:$0x3FB2]  }
0x3d: {  	_ =	shalt  }
0x3e: {  	_ =	shalt  }
0x3f: {  	_ =	shalt  }
0x40: {  	_ =	shalt  }
0x41: {  	_ =	shalt  }
0x42: {  	_ =	shalt  }
0x43: {  	_ =	shalt  }
0x44: {  	_ =	shalt  }
0x45: {  	_ =	shalt  }
0x46: {  	_ =	shalt  }
0x47: {  	_ =	shalt  }
0x48: {  	_ =	shalt  }
0x49: {  	_ =	shalt  }
0x4a: {  	_ =	shalt  }
0x4b: {  	_ =	shalt  }
0x4c: {  	_ =	shalt  }
0x4d: {  	_ =	shalt  }
0x4e: {  	_ =	shalt  }
0x4f: {  	_ =	shalt  }
0x50: {  	_ =	shalt  }
0x51: {  	_ =	shalt  }
0x52: {  	_ =	shalt  }
0x53: {  	_ =	shalt  }
0x54: {  	_ =	shalt  }
0x55: {  	_ =	shalt  }
0x56: {  	_ =	shalt  }
0x57: {  	_ =	shalt  }
0x58: {  	_ =	shalt  }
0x59: {  	_ =	shalt  }
0x5a: {  	_ =	shalt  }
0x5b: {  	_ =	shalt  }
0x5c: {  	_ =	shalt  }
0x5d: {  	_ =	shalt  }
0x5e: {  	_ =	shalt  }
0x5f: {  	_ =	shalt  }
0x60: {  	_ =	shalt  }
0x61: {  	_ =	shalt  }
0x62: {  	_ =	shalt  }
0x63: {  	_ =	shalt  }
0x64: {  	_ =	shalt  }
0x65: {  	_ =	shalt  }
0x66: {  	_ =	shalt  }
0x67: {  	_ =	shalt  }
0x68: {  	_ =	shalt  }
0x69: {  	_ =	shalt  }
0x6a: {  	_ =	shalt  }
0x6b: {  	_ =	shalt  }
0x6c: {  	_ =	shalt  }
0x6d: {  	_ =	shalt  }
0x6e: {  	_ =	shalt  }
0x6f: {  	_ =	shalt  }
0x70: {  	_ =	shalt  }
0x71: {  	_ =	shalt  }
0x72: {  	_ =	shalt  }
0x73: {  	_ =	shalt  }
0x74: {  	_ =	shalt  }
0x75: {  	_ =	shalt  }
0x76: {  	_ =	shalt  }
0x77: {  	_ =	shalt  }
0x78: {  	_ =	shalt  }
0x79: {  	_ =	shalt  }
0x7a: {  	_ =	shalt  }
0x7b: {  	_ =	shalt  }
0x7c: {  	_ =	shalt  }
0x7d: {  	_ =	shalt  }
0x7e: {  	_ =	shalt  }
0x7f: {  	_ =	shalt  }
0x80: {  	_ =	shalt  }
0x81: {  	_ =	shalt  }
0x82: {  	_ =	shalt  }
0x83: {  	_ =	shalt  }
0x84: {  	_ =	shalt  }
0x85: {  	_ =	shalt  }
0x86: {  	_ =	shalt  }
0x87: {  	_ =	shalt  }
.Lfunc_end0:
.L_simem_size_0:
called_computation_lowered:
.L_overlay_start_0:
0x88: {  	s2 =	sld [smem:$0x3FD9]  }
0x89: {  	s3 =	sld [smem:$0x3FFE];
	_ =	sdelay $0x1  }
0x8a: {  	s1 =	srdreg.scid  }
0x8b: {  	s0 =	sand.u32 $0x1, s1  }
0x8c: {  	s17 =	sshll.u32 s0, $0xA;
	s2 =	sadd.s32 s3, s2  }
0x8d: {  	s2 =	sadd.s32 s2, s17  }
0x8e: {  	[smem:$0x3FBE] =	sst s2  }
0x8f: {  	_ = 	snop  }
0x90: {  	s2 =	sld [smem:$0x3FC9];
	(tm) =	ssettm $0x1  }
0x91: {  	s18 =	sld [smem:$0x3FFB];
	_ =	sdelay $0x3  }
0x92: {  	_ =	strace s18  }
0x93: {  	s3 =	sld [smem:$0x3FFC];
	_ =	sdelay $0x3  }
0x94: {  	_ =	strace s3  }
0x95: {  	s3 =	sld [smem:$0x3FFD];
	_ =	sdelay $0x3  }
0x96: {  	_ =	strace s3  }
0x97: {  	_ =	strace $0x8FFFFFFF  }
0x98: {  	s19 =	sld [smem:$0x3FDB];
	_ =	sdelay $0x1  }
0x99: {  	s4 =	simm.s32 $_scs_section_size  }
0x9a: {  	s5 =	simm.s32 $_size__tile_overlayer_lowered;
	s6 =	simm.s32 $_tile_overlayer_lowered  }
0x9b: {  	s22 =	simm.s32 $0x1BFF;
	s21 =	sshll.u32 s6, $0x1;
	s3 =	sadd.s32 s4, s19  }
0x9c: {  	s7 =	simm.s32 $0x0;
	s20 =	sshll.u32 s5, $0x1;
	s5 =	sadd.s32 s21, s3  }
0x9d: {  	[timem:s7], [sflag:s22] =	dma.local [hbm:s5], s20  }
0x9e: {  	_ =	swait.ge [sflag:s22], s20  }
0x9f: {  	s4 =	ssub.s32 $0x0, s20;
	[sflag:s22] =	ssyncset.done $0x0  }
0xa0: {  	[sflag:s22] =	ssyncadd.s32 s4;
	_ =	sdelay $0x1  }
0xa1: {  	s23 =	simm.s32 $0x1B8B  }
0xa2: {  	_ =	swait.ge [sflag:s23], $0x1  }
0xa3: {  	[sflag:s23] =	ssyncset.done $0x0  }
0xa4: {  	s25 =	simm.s32 $0x1B8E;
	s24 =	sld [smem:$0x3FFE];
	[sflag:s23] =	ssyncadd.s32 $0xFFFFFFFF  }
0xa5: {  	s26 =	simm.s32 $execute0_lowered;
	[smem:$0x3FD2] =	sst s25  }
0xa6: {  	s5 =	sshll.u32 s26, $0x1;
	_ =	strace $0x80000046;
	[dreg:$0x1] =	wrdreg $0xFFFFFFFF  }
0xa7: {  	s28 =	simm.s32 $_size_execute0_lowered;
	s3 =	sadd.s32 s3, s5;
	[dreg:$0x0] =	wrdreg $0x0  }
0xa8: {  	s5 =	sshll.u32 s28, $0x1;
	[dreg:$0x2] =	wrdreg s3  }
0xa9: {  	[dreg:$0x3] =	wrdreg s5  }
0xaa: {  	[dreg:$0x4] =	wrdreg $0xC0  }
0xab: {  	_ =	task [dreg:s7], $0x5FFFF  }
0xac: {  	[dreg:$0x1] =	wrdreg $0xFFFFFFFF  }
0xad: {  	[dreg:$0x0] =	wrdreg $0x60  }
0xae: {  	[dreg:$0x2] =	wrdreg s2  }
0xaf: {  	[dreg:$0x3] =	wrdreg s24  }
0xb0: {  	[dreg:$0x4] =	wrdreg $0x8000  }
0xb1: {  	[dreg:$0x5] =	wrdreg $0x9  }
0xb2: {  	_ =	task.clear_ibuf [dreg:s7], $0x6FFFF;
	_ =	strace $0x90000046  }
0xb3: {  	s29 =	simm.s32 $0x9;
	_ =	strace $0x80000048  }
0xb4: {  	_ =	swait.ge [sflag:s29], $0x1  }
0xb5: {  	[sflag:s29] =	ssyncadd.s32 $0xFFFFFFFF  }
0xb6: {  	_ =	strace $0x90000048  }
0xb7: {  	_ =	sfence  }
0xb8: {  	s30 =	sld [smem:$0x0];
	_ =	sdelay $0x2  }
0xb9: {  	s31 =	sshll.u32 s1, $0xD;
	s1 =	sshrl.u32 s1, $0x2  }
0xba: {  	s3 =	sand.u32 $0x4000, s31;
	s1 =	sadd.s32 s1, s30  }
0xbb: {  	s0 =	sor.u32 s3, s0;
	s1 =	sshll.u32 s1, $0x11  }
0xbc: {  	s0 =	sor.u32 s1, s0  }
0xbd: {  	s0 =	sadd.s32 $0x8F2B, s0  }
0xbe: {  	[sflag:s0] =	ssyncadd.remote.s32 $0x1  }
0xbf: {  	_ =	sfence.sel $0xFFFF  }
0xc0: {  	[dreg:$0x0] =	wrdreg $0xFFFFFFFF;
	(pc) =	sbr.abs _section_cstart, $3  }
0xc1: {  	[dreg:$0x1] =	wrdreg $0xFFFFFFFF  }
0xc2: {  	_ =	task.clear_ibuf [dreg:s7], $0x2FFFF;
	_ =	strace $0x9FFFFFFF  }
0xc3: {  	(tm) =	ssettm $0x7FFFFFFF  }
tec
execute0_lowered:
.L_overlay_start_1:
0x0: {  	(tag) =	ssettag $0x1  }
0x1: {  	s1 =	rddreg [dreg:$0x0]  }
0x2: {  	s0 =	rddreg [dreg:$0x1]  }
0x3: {  	s3 =	srdreg.scid;
	s2 =	rddreg [dreg:$0x2];
	s4 =	simm.s32 $0x0  }
0x4: {  	s9 =	stileid.u32;
	s13 =	simm.s32 $0x6;
	s14 =	simm.s32 $0x400  }
0x5: {  	s15 =	simm.s32 $0x80;
	s16 =	simm.s32 $0x14800;
	s17 =	simm.s32 $0x18800  }
0x6: {  	s18 =	simm.s32 $0x1;
	s19 =	simm.s32 $0x3;
	s7 =	smul.u32 $0x14000, s9  }
0x7: {  	s28 =	simm.s32 $0x580;
	s29 =	simm.s32 $0x280;
	s20 =	smul.u32 $0x50000, s9  }
0x8: {  	s30 =	simm.s32 $0x600;
	s3 =	sand.u32 $0x1, s3;
	s22 =	smul.u32 $0x500, s9  }
0x9: {  	s31 =	simm.s32 $0x300;
	[smem:$0x7FF] =	sst s4;
	s5 =	smul.u32 $0x5000, s3  }
0xa: {  	s8 =	sadd.s32 $0x16200, s0;
	s24 =	sshll.u32 s9, $0x6;
	s6 =	smul.u32 $0x140000, s3  }
0xb: {  	_ =	strace $0x80000047;
	[dreg:$0x5] =	wrdreg s8;
	s3 =	ssub.s32 $0x2, s3  }
0xc: {  	[dreg:$0x6] =	wrdreg s24;
	s8 =	simm.s32 $0x0;
	s21 =	sshrl.u32 s3, $0x1  }
0xd: {  	s23 =	sshrl.u32 s20, $0x2;
	s20 =	simm.s32 $0x100;
	s5 =	sadd.s32 s5, s0  }
0xe: {  	s6 =	sadd.s32 s7, s6;
	s3 =	ssub.s32 s3, s21;
	s7 =	sor.u32 $0x1C05, s24  }
0xf: {  	s21 =	simm.s32 $0x2;
	s24 =	simm.s32 $0x180;
	s6 =	sshrl.u32 s6, $0x3  }
0x10: {  	[dreg:$0x7] =	wrdreg s7;
	s5 =	sadd.s32 s22, s5;
	s25 =	smax.u32 s3, $0x1  }
0x11: {  	s22 =	simm.s32 $0x480;
	s3 =	simm.s32 $0x380;
	s7 =	simm.s32 $0x780  }
0x12: {  	s0 =	sadd.s32 s6, s0;
	s6 =	sadd.s32 s23, s2;
	[dreg:$0x9] =	wrdreg s25  }
0x13: {  	s26 =	sadd.s32 $0x2200, s5;
	s10 =	sadd.s32 $0xC200, s5;
	s23 =	simm.s32 $0x4  }
0x14: {  	s25 =	simm.s32 $0x500;
	s0 =	sadd.s32 $0x18A00, s0;
	[dreg:$0x4] =	wrdreg s26  }
0x15: {  	s5 =	simm.s32 $0x700;
	s9 =	sshrl.u32 s6, $0x3;
	[dreg:$0x8] =	wrdreg s0  }
0x16: {  	s26 =	simm.s32 $0x200;
	s0 =	simm.s32 $0x680;
	[dreg:$0xa] =	wrdreg s9  }
.LBB2_1:
0x17: {  	[dreg:$0xb] =	wrdreg s8  }
0x18: {  	s6 =	rddreg [dreg:$0x5]  }
0x19: {  	s12 =	rddreg [dreg:$0x7]  }
0x1a: {  	[spmem:s9], [sflag:s12] =	dma.local [hbm:s6], $0x2800  }
0x1b: {  	s9 =	simm.s32 $0x5  }
0x1c: {  	_ =	swait.ge [sflag:s9], $0x2800  }
0x1d: {  	[sflag:s9] =	ssyncset.done $0x0  }
0x1e: {  	[sflag:s9] =	ssyncadd.s32 $0xFFFFD800  }
0x1f: {  	s11 =	sadd.s32 $0x0, s10;
	[bflag:$0x0] =	sbarrier.arrive $0xFFFF  }
0x20: {  	[tilespmem:s4], [sflag:$0x6] =	stream.linear.gather [hbm4b:s11+s4], $0x400, $0x38;
	[tilespmem:$0x1C800] =	vst v63  }
0x21: {  	_ =	swait.ge [sflag:s13], $0x400  }
0x22: {  	s12 =	rddreg [dreg:$0x4];
	[sflag:s13] =	ssyncset.done $0x0  }
0x23: {  	[sflag:s13] =	ssyncadd.s32 $0xFFFFFC00;
	s6 =	sadd.s32 $0x0, s12  }
0x24: {  	[tilespmem:s14], [sflag:$0x6] =	stream.linear.gather [hbm4b:s6+s4], $0x400, $0x38;
	[tilespmem:$0x1C800] =	vst v63  }
0x25: {  	_ =	swait.ge [sflag:s13], $0x400  }
0x26: {  	[sflag:s13] =	ssyncset.done $0x0  }
0x27: {  	[sflag:s13] =	ssyncadd.s32 $0xFFFFFC00  }
0x28: {  	[tilespmem:s16], [sflag:$0x1] =	stream.indirect.gather [hbm4b:s1+s15], $0x80, s4, s15, $0xb8;
	[tilespmem:$0x1C800] =	vst v63  }
0x29: {  	_ = 	snop  }
0x2a: {  	[tilespmem:s17], [sflag:$0x2] =	stream.indirect.gather [hbm4b:s1+s15], $0x80, s15, s15, $0xb8;
	[tilespmem:$0x1C800] =	vst v63  }
0x2b: {  	_ =	swait.ge [sflag:s18], $0x4000  }
0x2c: {  	[sflag:s18] =	ssyncset.done $0x0  }
0x2d: {  	[sflag:s18] =	ssyncadd.s32 $0xFFFFC000  }
0x2e: {  	[spmem:s2] =	stream.indirect.scatter.add.f32 [tilespmem:s16], [sflag:$0x3], $0x80, s14, s15, $0xb8;
	[tilespmem:$0x1C800] =	vst v63  }
0x2f: {  	_ =	swait.ge [sflag:s19], $0x4000  }
0x30: {  	[sflag:s19] =	ssyncset.done $0x0  }
0x31: {  	[sflag:s19] =	ssyncadd.s32 $0xFFFFC000  }
0x32: {  	[tilespmem:s16], [sflag:$0x1] =	stream.indirect.gather [hbm4b:s1+s15], $0x80, s20, s15, $0xb8;
	[tilespmem:$0x1C800] =	vst v63  }
0x33: {  	_ =	swait.ge [sflag:s21], $0x4000  }
0x34: {  	[sflag:s21] =	ssyncset.done $0x0  }
0x35: {  	[sflag:s21] =	ssyncadd.s32 $0xFFFFC000  }
0x36: {  	[spmem:s2] =	stream.indirect.scatter.add.f32 [tilespmem:s17], [sflag:$0x4], $0x80, s22, s15, $0xb8;
	[tilespmem:$0x1C800] =	vst v63  }
0x37: {  	_ =	swait.ge [sflag:s23], $0x4000  }
0x38: {  	[sflag:s23] =	ssyncset.done $0x0  }
0x39: {  	[sflag:s23] =	ssyncadd.s32 $0xFFFFC000  }
0x3a: {  	[tilespmem:s17], [sflag:$0x2] =	stream.indirect.gather [hbm4b:s1+s15], $0x80, s24, s15, $0xb8;
	[tilespmem:$0x1C800] =	vst v63  }
0x3b: {  	_ =	swait.ge [sflag:s18], $0x4000  }
0x3c: {  	[sflag:s18] =	ssyncset.done $0x0  }
0x3d: {  	[sflag:s18] =	ssyncadd.s32 $0xFFFFC000  }
0x3e: {  	[spmem:s2] =	stream.indirect.scatter.add.f32 [tilespmem:s16], [sflag:$0x3], $0x80, s25, s15, $0xb8;
	[tilespmem:$0x1C800] =	vst v63  }
0x3f: {  	_ =	swait.ge [sflag:s19], $0x4000  }
0x40: {  	[sflag:s19] =	ssyncset.done $0x0  }
0x41: {  	[sflag:s19] =	ssyncadd.s32 $0xFFFFC000  }
0x42: {  	[tilespmem:s16], [sflag:$0x1] =	stream.indirect.gather [hbm4b:s1+s15], $0x80, s26, s15, $0xb8;
	[tilespmem:$0x1C800] =	vst v63  }
0x43: {  	_ =	swait.ge [sflag:s21], $0x4000  }
0x44: {  	[sflag:s21] =	ssyncset.done $0x0  }
0x45: {  	[sflag:s21] =	ssyncadd.s32 $0xFFFFC000  }
0x46: {  	[spmem:s2] =	stream.indirect.scatter.add.f32 [tilespmem:s17], [sflag:$0x4], $0x80, s28, s15, $0xb8;
	[tilespmem:$0x1C800] =	vst v63  }
0x47: {  	_ =	swait.ge [sflag:s23], $0x4000  }
0x48: {  	[sflag:s23] =	ssyncset.done $0x0  }
0x49: {  	[sflag:s23] =	ssyncadd.s32 $0xFFFFC000  }
0x4a: {  	[tilespmem:s17], [sflag:$0x2] =	stream.indirect.gather [hbm4b:s1+s15], $0x80, s29, s15, $0xb8;
	[tilespmem:$0x1C800] =	vst v63  }
0x4b: {  	_ =	swait.ge [sflag:s18], $0x4000  }
0x4c: {  	[sflag:s18] =	ssyncset.done $0x0  }
0x4d: {  	[sflag:s18] =	ssyncadd.s32 $0xFFFFC000  }
0x4e: {  	[spmem:s2] =	stream.indirect.scatter.add.f32 [tilespmem:s16], [sflag:$0x3], $0x80, s30, s15, $0xb8;
	[tilespmem:$0x1C800] =	vst v63  }
0x4f: {  	_ =	swait.ge [sflag:s19], $0x4000  }
0x50: {  	[sflag:s19] =	ssyncset.done $0x0  }
0x51: {  	[sflag:s19] =	ssyncadd.s32 $0xFFFFC000  }
0x52: {  	[tilespmem:s16], [sflag:$0x1] =	stream.indirect.gather [hbm4b:s1+s15], $0x80, s31, s15, $0xb8;
	[tilespmem:$0x1C800] =	vst v63  }
0x53: {  	_ =	swait.ge [sflag:s21], $0x4000  }
0x54: {  	[sflag:s21] =	ssyncset.done $0x0  }
0x55: {  	[sflag:s21] =	ssyncadd.s32 $0xFFFFC000  }
0x56: {  	[spmem:s2] =	stream.indirect.scatter.add.f32 [tilespmem:s17], [sflag:$0x4], $0x80, s0, s15, $0xb8;
	[tilespmem:$0x1C800] =	vst v63  }
0x57: {  	_ =	swait.ge [sflag:s23], $0x4000  }
0x58: {  	[sflag:s23] =	ssyncset.done $0x0  }
0x59: {  	[sflag:s23] =	ssyncadd.s32 $0xFFFFC000  }
0x5a: {  	[tilespmem:s17], [sflag:$0x2] =	stream.indirect.gather [hbm4b:s1+s15], $0x80, s3, s15, $0xb8;
	[tilespmem:$0x1C800] =	vst v63  }
0x5b: {  	_ =	swait.ge [sflag:s18], $0x4000  }
0x5c: {  	[sflag:s18] =	ssyncset.done $0x0  }
0x5d: {  	[sflag:s18] =	ssyncadd.s32 $0xFFFFC000  }
0x5e: {  	[spmem:s2] =	stream.indirect.scatter.add.f32 [tilespmem:s16], [sflag:$0x3], $0x80, s5, s15, $0xb8;
	[tilespmem:$0x1C800] =	vst v63  }
0x5f: {  	_ =	swait.ge [sflag:s21], $0x4000  }
0x60: {  	[sflag:s21] =	ssyncset.done $0x0  }
0x61: {  	[sflag:s21] =	ssyncadd.s32 $0xFFFFC000  }
0x62: {  	[spmem:s2] =	stream.indirect.scatter.add.f32 [tilespmem:s17], [sflag:$0x4], $0x80, s7, s15, $0xb8;
	[tilespmem:$0x1C800] =	vst v63  }
0x63: {  	_ =	swait.ge [sflag:s19], $0x4000  }
0x64: {  	[sflag:s19] =	ssyncset.done $0x0  }
0x65: {  	[sflag:s19] =	ssyncadd.s32 $0xFFFFC000  }
0x66: {  	_ =	swait.ge [sflag:s23], $0x4000  }
0x67: {  	s9 =	simm.s32 $0x80;
	s6 =	simm.s32 $0x100;
	[sflag:s23] =	ssyncset.done $0x0  }
.LBB2_2:
0x68: {  	s11 =	sadd.s32 s9, s10;
	[sflag:s23] =	ssyncadd.s32 $0xFFFFC000  }
0x69: {  	[tilespmem:s4], [sflag:$0x6] =	stream.linear.gather [hbm4b:s11+s4], $0x400, $0x38;
	[tilespmem:$0x1C800] =	vst v63  }
0x6a: {  	s8 =	smov.u32 s6;
	_ =	swait.ge [sflag:s13], $0x400  }
0x6b: {  	s12 =	sadd.s32 $0x80, s6;
	s11 =	rddreg [dreg:$0x4];
	[sflag:s13] =	ssyncset.done $0x0  }
0x6c: {  	p0 =	sne.s32 s6, $0x480;
	[sflag:s13] =	ssyncadd.s32 $0xFFFFFC00;
	s6 =	sadd.s32 s9, s11  }
0x6d: {  	[tilespmem:s14], [sflag:$0x6] =	stream.linear.gather [hbm4b:s6+s4], $0x400, $0x38;
	[tilespmem:$0x1C800] =	vst v63  }
0x6e: {  	_ =	swait.ge [sflag:s13], $0x400  }
0x6f: {  	[sflag:s13] =	ssyncset.done $0x0  }
0x70: {  	[sflag:s13] =	ssyncadd.s32 $0xFFFFFC00  }
0x71: {  	[tilespmem:s16], [sflag:$0x1] =	stream.indirect.gather [hbm4b:s1+s15], $0x80, s4, s15, $0xb8;
	[tilespmem:$0x1C800] =	vst v63  }
0x72: {  	_ = 	snop  }
0x73: {  	[tilespmem:s17], [sflag:$0x2] =	stream.indirect.gather [hbm4b:s1+s15], $0x80, s15, s15, $0xb8;
	[tilespmem:$0x1C800] =	vst v63  }
0x74: {  	_ =	swait.ge [sflag:s18], $0x4000  }
0x75: {  	[sflag:s18] =	ssyncset.done $0x0  }
0x76: {  	[sflag:s18] =	ssyncadd.s32 $0xFFFFC000  }
0x77: {  	[spmem:s2] =	stream.indirect.scatter.add.f32 [tilespmem:s16], [sflag:$0x3], $0x80, s14, s15, $0xb8;
	[tilespmem:$0x1C800] =	vst v63  }
0x78: {  	_ =	swait.ge [sflag:s19], $0x4000  }
0x79: {  	[sflag:s19] =	ssyncset.done $0x0  }
0x7a: {  	[sflag:s19] =	ssyncadd.s32 $0xFFFFC000  }
0x7b: {  	[tilespmem:s16], [sflag:$0x1] =	stream.indirect.gather [hbm4b:s1+s15], $0x80, s20, s15, $0xb8;
	[tilespmem:$0x1C800] =	vst v63  }
0x7c: {  	_ =	swait.ge [sflag:s21], $0x4000  }
0x7d: {  	[sflag:s21] =	ssyncset.done $0x0  }
0x7e: {  	[sflag:s21] =	ssyncadd.s32 $0xFFFFC000  }
0x7f: {  	[spmem:s2] =	stream.indirect.scatter.add.f32 [tilespmem:s17], [sflag:$0x4], $0x80, s22, s15, $0xb8;
	[tilespmem:$0x1C800] =	vst v63  }
0x80: {  	_ =	swait.ge [sflag:s23], $0x4000  }
0x81: {  	[sflag:s23] =	ssyncset.done $0x0  }
0x82: {  	[sflag:s23] =	ssyncadd.s32 $0xFFFFC000  }
0x83: {  	[tilespmem:s17], [sflag:$0x2] =	stream.indirect.gather [hbm4b:s1+s15], $0x80, s24, s15, $0xb8;
	[tilespmem:$0x1C800] =	vst v63  }
0x84: {  	_ =	swait.ge [sflag:s18], $0x4000  }
0x85: {  	[sflag:s18] =	ssyncset.done $0x0  }
0x86: {  	[sflag:s18] =	ssyncadd.s32 $0xFFFFC000  }
0x87: {  	[spmem:s2] =	stream.indirect.scatter.add.f32 [tilespmem:s16], [sflag:$0x3], $0x80, s25, s15, $0xb8;
	[tilespmem:$0x1C800] =	vst v63  }
0x88: {  	_ =	swait.ge [sflag:s19], $0x4000  }
0x89: {  	[sflag:s19] =	ssyncset.done $0x0  }
0x8a: {  	[sflag:s19] =	ssyncadd.s32 $0xFFFFC000  }
0x8b: {  	[tilespmem:s16], [sflag:$0x1] =	stream.indirect.gather [hbm4b:s1+s15], $0x80, s26, s15, $0xb8;
	[tilespmem:$0x1C800] =	vst v63  }
0x8c: {  	_ =	swait.ge [sflag:s21], $0x4000  }
0x8d: {  	[sflag:s21] =	ssyncset.done $0x0  }
0x8e: {  	[sflag:s21] =	ssyncadd.s32 $0xFFFFC000  }
0x8f: {  	[spmem:s2] =	stream.indirect.scatter.add.f32 [tilespmem:s17], [sflag:$0x4], $0x80, s28, s15, $0xb8;
	[tilespmem:$0x1C800] =	vst v63  }
0x90: {  	_ =	swait.ge [sflag:s23], $0x4000  }
0x91: {  	[sflag:s23] =	ssyncset.done $0x0  }
0x92: {  	[sflag:s23] =	ssyncadd.s32 $0xFFFFC000  }
0x93: {  	[tilespmem:s17], [sflag:$0x2] =	stream.indirect.gather [hbm4b:s1+s15], $0x80, s29, s15, $0xb8;
	[tilespmem:$0x1C800] =	vst v63  }
0x94: {  	_ =	swait.ge [sflag:s18], $0x4000  }
0x95: {  	[sflag:s18] =	ssyncset.done $0x0  }
0x96: {  	[sflag:s18] =	ssyncadd.s32 $0xFFFFC000  }
0x97: {  	[spmem:s2] =	stream.indirect.scatter.add.f32 [tilespmem:s16], [sflag:$0x3], $0x80, s30, s15, $0xb8;
	[tilespmem:$0x1C800] =	vst v63  }
0x98: {  	_ =	swait.ge [sflag:s19], $0x4000  }
0x99: {  	[sflag:s19] =	ssyncset.done $0x0  }
0x9a: {  	[sflag:s19] =	ssyncadd.s32 $0xFFFFC000  }
0x9b: {  	[tilespmem:s16], [sflag:$0x1] =	stream.indirect.gather [hbm4b:s1+s15], $0x80, s31, s15, $0xb8;
	[tilespmem:$0x1C800] =	vst v63  }
0x9c: {  	_ =	swait.ge [sflag:s21], $0x4000  }
0x9d: {  	[sflag:s21] =	ssyncset.done $0x0  }
0x9e: {  	[sflag:s21] =	ssyncadd.s32 $0xFFFFC000  }
0x9f: {  	[spmem:s2] =	stream.indirect.scatter.add.f32 [tilespmem:s17], [sflag:$0x4], $0x80, s0, s15, $0xb8;
	[tilespmem:$0x1C800] =	vst v63  }
0xa0: {  	_ =	swait.ge [sflag:s23], $0x4000  }
0xa1: {  	[sflag:s23] =	ssyncset.done $0x0  }
0xa2: {  	[sflag:s23] =	ssyncadd.s32 $0xFFFFC000  }
0xa3: {  	[tilespmem:s17], [sflag:$0x2] =	stream.indirect.gather [hbm4b:s1+s15], $0x80, s3, s15, $0xb8;
	[tilespmem:$0x1C800] =	vst v63  }
0xa4: {  	_ =	swait.ge [sflag:s18], $0x4000  }
0xa5: {  	[sflag:s18] =	ssyncset.done $0x0  }
0xa6: {  	[sflag:s18] =	ssyncadd.s32 $0xFFFFC000  }
0xa7: {  	[spmem:s2] =	stream.indirect.scatter.add.f32 [tilespmem:s16], [sflag:$0x3], $0x80, s5, s15, $0xb8;
	[tilespmem:$0x1C800] =	vst v63  }
0xa8: {  	_ =	swait.ge [sflag:s21], $0x4000  }
0xa9: {  	[sflag:s21] =	ssyncset.done $0x0  }
0xaa: {  	[sflag:s21] =	ssyncadd.s32 $0xFFFFC000  }
0xab: {  	[spmem:s2] =	stream.indirect.scatter.add.f32 [tilespmem:s17], [sflag:$0x4], $0x80, s7, s15, $0xb8;
	[tilespmem:$0x1C800] =	vst v63  }
.Ltmp0:
0xac: {  	_ =	swait.ge [sflag:s19], $0x4000;
	(pc) =	sbr.rel @p0 .LBB2_2-.Ltmp0, $4  }
0xad: {  	[sflag:s19] =	ssyncset.done $0x0  }
0xae: {  	[sflag:s19] =	ssyncadd.s32 $0xFFFFC000  }
0xaf: {  	_ =	swait.ge [sflag:s23], $0x4000  }
0xb0: {  	s9 =	smov.u32 s8;
	s6 =	smov.u32 s12;
	[sflag:s23] =	ssyncset.done $0x0  }
0xb1: {  	s6 =	sadd.s32 s9, s10;
	[sflag:s23] =	ssyncadd.s32 $0xFFFFC000  }
0xb2: {  	[tilespmem:s4], [sflag:$0x6] =	stream.linear.gather [hbm4b:s6+s4], $0x400, $0x38;
	[tilespmem:$0x1C800] =	vst v63  }
0xb3: {  	_ =	swait.ge [sflag:s13], $0x400  }
0xb4: {  	s8 =	rddreg [dreg:$0x4];
	[sflag:s13] =	ssyncset.done $0x0  }
0xb5: {  	s6 =	sadd.s32 s9, s8;
	[sflag:s13] =	ssyncadd.s32 $0xFFFFFC00  }
0xb6: {  	[tilespmem:s14], [sflag:$0x6] =	stream.linear.gather [hbm4b:s6+s4], $0x400, $0x38;
	[tilespmem:$0x1C800] =	vst v63  }
0xb7: {  	_ =	swait.ge [sflag:s13], $0x400  }
0xb8: {  	[sflag:s13] =	ssyncset.done $0x0  }
0xb9: {  	[sflag:s13] =	ssyncadd.s32 $0xFFFFFC00  }
0xba: {  	[tilespmem:s16], [sflag:$0x1] =	stream.indirect.gather [hbm4b:s1+s15], $0x80, s4, s15, $0xb8;
	[tilespmem:$0x1C800] =	vst v63  }
0xbb: {  	_ = 	snop  }
0xbc: {  	[tilespmem:s17], [sflag:$0x2] =	stream.indirect.gather [hbm4b:s1+s15], $0x80, s15, s15, $0xb8;
	[tilespmem:$0x1C800] =	vst v63  }
0xbd: {  	_ =	swait.ge [sflag:s18], $0x4000  }
0xbe: {  	[sflag:s18] =	ssyncset.done $0x0  }
0xbf: {  	[sflag:s18] =	ssyncadd.s32 $0xFFFFC000  }
0xc0: {  	[spmem:s2] =	stream.indirect.scatter.add.f32 [tilespmem:s16], [sflag:$0x3], $0x80, s14, s15, $0xb8;
	[tilespmem:$0x1C800] =	vst v63  }
0xc1: {  	_ =	swait.ge [sflag:s19], $0x4000  }
0xc2: {  	[sflag:s19] =	ssyncset.done $0x0  }
0xc3: {  	[sflag:s19] =	ssyncadd.s32 $0xFFFFC000  }
0xc4: {  	[tilespmem:s16], [sflag:$0x1] =	stream.indirect.gather [hbm4b:s1+s15], $0x80, s20, s15, $0xb8;
	[tilespmem:$0x1C800] =	vst v63  }
0xc5: {  	_ =	swait.ge [sflag:s21], $0x4000  }
0xc6: {  	[sflag:s21] =	ssyncset.done $0x0  }
0xc7: {  	[sflag:s21] =	ssyncadd.s32 $0xFFFFC000  }
0xc8: {  	[spmem:s2] =	stream.indirect.scatter.add.f32 [tilespmem:s17], [sflag:$0x4], $0x80, s22, s15, $0xb8;
	[tilespmem:$0x1C800] =	vst v63  }
0xc9: {  	_ =	swait.ge [sflag:s23], $0x4000  }
0xca: {  	[sflag:s23] =	ssyncset.done $0x0  }
0xcb: {  	[sflag:s23] =	ssyncadd.s32 $0xFFFFC000  }
0xcc: {  	[tilespmem:s17], [sflag:$0x2] =	stream.indirect.gather [hbm4b:s1+s15], $0x80, s24, s15, $0xb8;
	[tilespmem:$0x1C800] =	vst v63  }
0xcd: {  	_ =	swait.ge [sflag:s18], $0x4000  }
0xce: {  	[sflag:s18] =	ssyncset.done $0x0  }
0xcf: {  	[sflag:s18] =	ssyncadd.s32 $0xFFFFC000  }
0xd0: {  	[spmem:s2] =	stream.indirect.scatter.add.f32 [tilespmem:s16], [sflag:$0x3], $0x80, s25, s15, $0xb8;
	[tilespmem:$0x1C800] =	vst v63  }
0xd1: {  	_ =	swait.ge [sflag:s19], $0x4000  }
0xd2: {  	[sflag:s19] =	ssyncset.done $0x0  }
0xd3: {  	[sflag:s19] =	ssyncadd.s32 $0xFFFFC000  }
0xd4: {  	[tilespmem:s16], [sflag:$0x1] =	stream.indirect.gather [hbm4b:s1+s15], $0x80, s26, s15, $0xb8;
	[tilespmem:$0x1C800] =	vst v63  }
0xd5: {  	_ =	swait.ge [sflag:s21], $0x4000  }
0xd6: {  	[sflag:s21] =	ssyncset.done $0x0  }
0xd7: {  	[sflag:s21] =	ssyncadd.s32 $0xFFFFC000  }
0xd8: {  	[spmem:s2] =	stream.indirect.scatter.add.f32 [tilespmem:s17], [sflag:$0x4], $0x80, s28, s15, $0xb8;
	[tilespmem:$0x1C800] =	vst v63  }
0xd9: {  	_ =	swait.ge [sflag:s23], $0x4000  }
0xda: {  	[sflag:s23] =	ssyncset.done $0x0  }
0xdb: {  	[sflag:s23] =	ssyncadd.s32 $0xFFFFC000  }
0xdc: {  	[tilespmem:s17], [sflag:$0x2] =	stream.indirect.gather [hbm4b:s1+s15], $0x80, s29, s15, $0xb8;
	[tilespmem:$0x1C800] =	vst v63  }
0xdd: {  	_ =	swait.ge [sflag:s18], $0x4000  }
0xde: {  	[sflag:s18] =	ssyncset.done $0x0  }
0xdf: {  	[sflag:s18] =	ssyncadd.s32 $0xFFFFC000  }
0xe0: {  	[spmem:s2] =	stream.indirect.scatter.add.f32 [tilespmem:s16], [sflag:$0x3], $0x80, s30, s15, $0xb8;
	[tilespmem:$0x1C800] =	vst v63  }
0xe1: {  	_ =	swait.ge [sflag:s19], $0x4000  }
0xe2: {  	[sflag:s19] =	ssyncset.done $0x0  }
0xe3: {  	[sflag:s19] =	ssyncadd.s32 $0xFFFFC000  }
0xe4: {  	[tilespmem:s16], [sflag:$0x1] =	stream.indirect.gather [hbm4b:s1+s15], $0x80, s31, s15, $0xb8;
	[tilespmem:$0x1C800] =	vst v63  }
0xe5: {  	_ =	swait.ge [sflag:s21], $0x4000  }
0xe6: {  	[sflag:s21] =	ssyncset.done $0x0  }
0xe7: {  	[sflag:s21] =	ssyncadd.s32 $0xFFFFC000  }
0xe8: {  	[spmem:s2] =	stream.indirect.scatter.add.f32 [tilespmem:s17], [sflag:$0x4], $0x80, s0, s15, $0xb8;
	[tilespmem:$0x1C800] =	vst v63  }
0xe9: {  	_ =	swait.ge [sflag:s23], $0x4000  }
0xea: {  	[sflag:s23] =	ssyncset.done $0x0  }
0xeb: {  	[sflag:s23] =	ssyncadd.s32 $0xFFFFC000  }
0xec: {  	[tilespmem:s17], [sflag:$0x2] =	stream.indirect.gather [hbm4b:s1+s15], $0x80, s3, s15, $0xb8;
	[tilespmem:$0x1C800] =	vst v63  }
0xed: {  	_ =	swait.ge [sflag:s18], $0x4000  }
0xee: {  	[sflag:s18] =	ssyncset.done $0x0  }
0xef: {  	[sflag:s18] =	ssyncadd.s32 $0xFFFFC000  }
0xf0: {  	[spmem:s2] =	stream.indirect.scatter.add.f32 [tilespmem:s16], [sflag:$0x3], $0x80, s5, s15, $0xb8;
	[tilespmem:$0x1C800] =	vst v63  }
0xf1: {  	_ =	swait.ge [sflag:s21], $0x4000  }
0xf2: {  	[sflag:s21] =	ssyncset.done $0x0  }
0xf3: {  	[sflag:s21] =	ssyncadd.s32 $0xFFFFC000  }
0xf4: {  	[spmem:s2] =	stream.indirect.scatter.add.f32 [tilespmem:s17], [sflag:$0x4], $0x80, s7, s15, $0xb8;
	[tilespmem:$0x1C800] =	vst v63  }
0xf5: {  	_ =	swait.ge [sflag:s19], $0x4000  }
0xf6: {  	[sflag:s19] =	ssyncset.done $0x0  }
0xf7: {  	[sflag:s19] =	ssyncadd.s32 $0xFFFFC000  }
0xf8: {  	_ =	swait.ge [sflag:s23], $0x4000  }
0xf9: {  	[sflag:s23] =	ssyncset.done $0x0  }
0xfa: {  	[sflag:s23] =	ssyncadd.s32 $0xFFFFC000  }
0xfb: {  	[bflag:$0x0] =	sbarrier.arrive $0xFFFF  }
0xfc: {  	s9 =	rddreg [dreg:$0x6]  }
0xfd: {  	s8 =	rddreg [dreg:$0x8]  }
0xfe: {  	s6 =	sor.u32 $0x1C06, s9;
	s9 =	rddreg [dreg:$0xa]  }
0xff: {  	[hbm:s8], [sflag:s6] =	dma.local [spmem:s9], $0x2800  }
0x100: {  	_ =	swait.ge [sflag:s13], $0x2800  }
0x101: {  	s11 =	rddreg [dreg:$0xb]  }
0x102: {  	s12 =	rddreg [dreg:$0x9];
	s8 =	sadd.s32 $0x1, s11  }
0x103: {  	p0 =	sne.s32 s8, s12  }
.Ltmp1:
0x104: {  	_ = 	snop;
	(pc) =	sbr.rel @p0 .LBB2_1-.Ltmp1, $3  }
0x105: {  	_ =	sdelay $0x1  }
0x106: {  	[sflag:s13] =	ssyncset.done $0x0  }
0x107: {  	[sflag:s13] =	ssyncadd.s32 $0xFFFFD800  }
0x108: {  	_ =	sfence.sel $0x180000  }
0x109: {  	[bflag:$0x0] =	sbarrier.arrive $0xFFFF  }
0x10a: {  	_ =	strace $0x90000047  }
0x10b: {  	s0 =	stileid.u32;
	[bflag:$0x2] =	sbarrier.arrive $0xFFFF  }
0x10c: {  	p0 =	sne.s32 s0, $0x0;
	s0 =	rddreg [dreg:$0x3]  }
0x10d: {  	s0 =	sadd.s32 @!p0 $0x100000, s0  }
0x10e: {  	[sflag:s0] =	ssyncadd.tile.s32 @!p0 $0x1;
	_ =	shalt  }
.Lfunc_end2:
_tile_overlayer_lowered:
.L_overlay_start_2:
0x10f: {  	(tag) =	ssettag $0x2  }
0x110: {  	s0 =	rddreg [dreg:$0x0];
	s2 =	stileid.u32  }
0x111: {  	s1 =	rddreg [dreg:$0x1];
	p0 =	sne.s32 s2, $0x0  }
0x112: {  	s3 =	rddreg [dreg:$0x2];
	[bflag:$0x3] =	sbarrier.arrive $0xFFFF;
	s2 =	simm.s32 @!p0 $0x1C06  }
0x113: {  	[timem:s3], [sflag:s2] =	dma.local @!p0 [hbm:s0], s1  }
0x114: {  	s0 =	simm.s32 @!p0 $0x6  }
0x115: {  	_ =	swait.ge @!p0 [sflag:s0], s1  }
0x116: {  	s1 =	ssub.s32 @!p0 $0x0, s1;
	[sflag:s0] =	ssyncset.done @!p0 $0x0  }
0x117: {  	[sflag:s0] =	ssyncadd.s32 @!p0 s1  }
0x118: {  	[bflag:$0x3] =	sbarrier.arrive $0xFFFF  }
0x119: {  	_ =	shalt  }

// kernel: kernel.9.cloned.1.call-start
scs
__scs_entry_jumppad:
0x0: {  	(pc) =	sbr.rel $0x88, $3  }
0x1: {  	(tag) =	ssettag $0x0;
	lr =	simm.s32 $0x1  }
0x2: {  	[smem:$0x3F97] =	sst lr;
	_ =	strace $0xD0000000  }
0x3: {  	_ = 	snop  }
0x4: {  	_ = 	snop  }
0x5: {  	_ = 	snop  }
0x6: {  	_ = 	snop  }
0x7: {  	_ = 	snop  }
__scs_overlays_trampoline_lowered:
0x8: {  	[smem:$0x3FA6] =	sst s0  }
0x9: {  	[smem:$0x3FA7] =	sst s1  }
0xa: {  	[smem:$0x3FA8] =	sst s2  }
0xb: {  	[smem:$0x3FA9] =	sst s3  }
0xc: {  	[smem:$0x3FAA] =	sst s4  }
0xd: {  	[smem:$0x3FAB] =	sst s5  }
0xe: {  	[smem:$0x3FAC] =	sst s6  }
0xf: {  	[smem:$0x3FAD] =	sst s7  }
0x10: {  	[smem:$0x3FAE] =	sst s8  }
0x11: {  	[smem:$0x3FAF] =	sst s9;
	s0 =	simm.s32 @!p0 $0x0  }
0x12: {  	s1 =	sld [smem:$0x3F95];
	s0 =	simm.s32 @p0 $0x1  }
0x13: {  	[smem:$0x3FB0] =	sst s0;
	s0 =	simm.s32 @!p1 $0x0  }
0x14: {  	s2 =	sld [smem:$0x3F94];
	s0 =	simm.s32 @p1 $0x1  }
0x15: {  	[smem:$0x3FB1] =	sst s0;
	s0 =	simm.s32 @!p2 $0x0  }
0x16: {  	s3 =	sld [smem:$0x3FDB];
	s0 =	simm.s32 @p2 $0x1  }
0x17: {  	s4 =	simm.s32 $0x1BF5;
	[smem:$0x3FB3] =	sst s0  }
0x18: {  	s0 =	sld [smem:$0x3F96];
	_ =	swait.ge [sflag:s4], $0x0  }
0x19: {  	s7 =	sld [smem:$0x3F97]  }
0x1a: {  	s8 =	sadd.s32 $0xFFFFE003, lr  }
0x1b: {  	s9 =	sadd.s32 $0xFFFFFEF7, lr;
	s5 =	simm.s32 $0xFFFFFFFF;
	p2 =	slt.u32 s8, $0xFFFFF086  }
0x1c: {  	p1 =	slt.u32 s9, $0xF7A;
	s5 =	simm.s32 @!p2 $0x0  }
0x1d: {  	s5 =	simm.s32 @p1 $0x1;
	p0 =	seq.s32 s7, s2  }
0x1e: {  	s7 =	smul.u32 @!p0 $0xF7A, s2;
	p2 =	seq.s32 @!p0 s5, $0x0  }
0x1f: {  	s9 =	smul.u32 $0xF7A, s1;
	s8 =	simm.s32 @!p0 $0x1BF5;
	p2 =	por !p2, p0  }
0x20: {  	[sflag:s8] =	ssyncset.s32 @!p0 $0xFFFFF086;
	s6 =	sadd.s32 @!p0 s3, s7;
	s7 =	simm.s32 @!p0 $0x108  }
0x21: {  	s3 =	sadd.s32 s3, s9;
	s6 =	sadd.s32 @!p0 $0x88, s6;
	s7 =	simm.s32 @p2 $0x1082  }
0x22: {  	[simem:s7], [sflag:s8] =	dma.local @!p0 [hbm:s6], $0xF7A  }
0x23: {  	s9 =	sor.u32 $0xD0000000, s2;
	s6 =	simm.s32 $0x108;
	_ =	swait.ge @!p0 [sflag:s8], $0x0  }
0x24: {  	s3 =	sadd.s32 $0x88, s3;
	s6 =	simm.s32 @!p1 $0x1082;
	[sflag:s4] =	ssyncset.s32 $0xFFFFF086  }
0x25: {  	[simem:s6], [sflag:s4] =	dma.local [hbm:s3], $0xF7A  }
0x26: {  	[smem:$0x3F97] =	sst s1;
	(tag) =	ssettag s2;
	_ =	strace s9  }
0x27: {  	s1 =	sld [smem:$0x3FA7]  }
0x28: {  	s2 =	sld [smem:$0x3FA8]  }
0x29: {  	s4 =	sld [smem:$0x3FAA]  }
0x2a: {  	p0 =	seq.s32 s5, $0x0;
	s5 =	sld [smem:$0x3FAB]  }
0x2b: {  	s6 =	sld [smem:$0x3FAC]  }
0x2c: {  	s7 =	sld [smem:$0x3FAD]  }
0x2d: {  	s3 =	simm.s32 $0x108;
	s8 =	sld [smem:$0x3FAE]  }
0x2e: {  	s3 =	simm.s32 @!p0 $0x1082;
	s9 =	sld [smem:$0x3FAF]  }
0x2f: {  	lr =	sadd.s32 s0, s3;
	s0 =	sld [smem:$0x3FA6]  }
0x30: {  	s3 =	sld [smem:$0x3FA9]  }
0x31: {  	[smem:$0x3FB2] =	sst s10  }
0x32: {  	s10 =	sld [smem:$0x3FB0];
	_ =	sdelay $0x3  }
0x33: {  	p0 =	seq.s32 s10, $0x1;
	s10 =	sld [smem:$0x3FB2];
	_ =	sdelay $0x3  }
0x34: {  	[smem:$0x3FB2] =	sst s10  }
0x35: {  	s10 =	sld [smem:$0x3FB1];
	_ =	sdelay $0x3  }
0x36: {  	p1 =	seq.s32 s10, $0x1;
	s10 =	sld [smem:$0x3FB2];
	_ =	sdelay $0x3  }
0x37: {  	[smem:$0x3FB2] =	sst s10  }
0x38: {  	s10 =	sld [smem:$0x3FB3]  }
0x39: {  	_ = 	snop;
	(pc) =	sbr.ind lr, $3  }
0x3a: {  	_ = 	snop  }
0x3b: {  	_ = 	snop  }
0x3c: {  	p2 =	seq.s32 s10, $0x1;
	s10 =	sld [smem:$0x3FB2]  }
0x3d: {  	_ =	shalt  }
0x3e: {  	_ =	shalt  }
0x3f: {  	_ =	shalt  }
0x40: {  	_ =	shalt  }
0x41: {  	_ =	shalt  }
0x42: {  	_ =	shalt  }
0x43: {  	_ =	shalt  }
0x44: {  	_ =	shalt  }
0x45: {  	_ =	shalt  }
0x46: {  	_ =	shalt  }
0x47: {  	_ =	shalt  }
0x48: {  	_ =	shalt  }
0x49: {  	_ =	shalt  }
0x4a: {  	_ =	shalt  }
0x4b: {  	_ =	shalt  }
0x4c: {  	_ =	shalt  }
0x4d: {  	_ =	shalt  }
0x4e: {  	_ =	shalt  }
0x4f: {  	_ =	shalt  }
0x50: {  	_ =	shalt  }
0x51: {  	_ =	shalt  }
0x52: {  	_ =	shalt  }
0x53: {  	_ =	shalt  }
0x54: {  	_ =	shalt  }
0x55: {  	_ =	shalt  }
0x56: {  	_ =	shalt  }
0x57: {  	_ =	shalt  }
0x58: {  	_ =	shalt  }
0x59: {  	_ =	shalt  }
0x5a: {  	_ =	shalt  }
0x5b: {  	_ =	shalt  }
0x5c: {  	_ =	shalt  }
0x5d: {  	_ =	shalt  }
0x5e: {  	_ =	shalt  }
0x5f: {  	_ =	shalt  }
0x60: {  	_ =	shalt  }
0x61: {  	_ =	shalt  }
0x62: {  	_ =	shalt  }
0x63: {  	_ =	shalt  }
0x64: {  	_ =	shalt  }
0x65: {  	_ =	shalt  }
0x66: {  	_ =	shalt  }
0x67: {  	_ =	shalt  }
0x68: {  	_ =	shalt  }
0x69: {  	_ =	shalt  }
0x6a: {  	_ =	shalt  }
0x6b: {  	_ =	shalt  }
0x6c: {  	_ =	shalt  }
0x6d: {  	_ =	shalt  }
0x6e: {  	_ =	shalt  }
0x6f: {  	_ =	shalt  }
0x70: {  	_ =	shalt  }
0x71: {  	_ =	shalt  }
0x72: {  	_ =	shalt  }
0x73: {  	_ =	shalt  }
0x74: {  	_ =	shalt  }
0x75: {  	_ =	shalt  }
0x76: {  	_ =	shalt  }
0x77: {  	_ =	shalt  }
0x78: {  	_ =	shalt  }
0x79: {  	_ =	shalt  }
0x7a: {  	_ =	shalt  }
0x7b: {  	_ =	shalt  }
0x7c: {  	_ =	shalt  }
0x7d: {  	_ =	shalt  }
0x7e: {  	_ =	shalt  }
0x7f: {  	_ =	shalt  }
0x80: {  	_ =	shalt  }
0x81: {  	_ =	shalt  }
0x82: {  	_ =	shalt  }
0x83: {  	_ =	shalt  }
0x84: {  	_ =	shalt  }
0x85: {  	_ =	shalt  }
0x86: {  	_ =	shalt  }
0x87: {  	_ =	shalt  }
.Lfunc_end0:
.L_simem_size_0:
called_computation.1_lowered:
.L_overlay_start_0:
0x88: {  	s2 =	sld [smem:$0x3FD9]  }
0x89: {  	s3 =	sld [smem:$0x3FFE];
	_ =	sdelay $0x1  }
0x8a: {  	s1 =	srdreg.scid  }
0x8b: {  	s0 =	sand.u32 $0x1, s1  }
0x8c: {  	s17 =	sshll.u32 s0, $0xA;
	s2 =	sadd.s32 s3, s2  }
0x8d: {  	s2 =	sadd.s32 s2, s17  }
0x8e: {  	[smem:$0x3FBE] =	sst s2  }
0x8f: {  	_ = 	snop  }
0x90: {  	s2 =	sld [smem:$0x3FD0];
	(tm) =	ssettm $0x1  }
0x91: {  	s18 =	sld [smem:$0x3FFB];
	_ =	sdelay $0x3  }
0x92: {  	_ =	strace s18  }
0x93: {  	s3 =	sld [smem:$0x3FFC];
	_ =	sdelay $0x3  }
0x94: {  	_ =	strace s3  }
0x95: {  	s3 =	sld [smem:$0x3FFD];
	_ =	sdelay $0x3  }
0x96: {  	_ =	strace s3  }
0x97: {  	_ =	strace $0x8FFFFFFF  }
0x98: {  	s19 =	sld [smem:$0x3FDB];
	_ =	sdelay $0x1  }
0x99: {  	s4 =	simm.s32 $_scs_section_size  }
0x9a: {  	s5 =	simm.s32 $_size__tile_overlayer_lowered;
	s6 =	simm.s32 $_tile_overlayer_lowered  }
0x9b: {  	s22 =	simm.s32 $0x1BFF;
	s21 =	sshll.u32 s6, $0x1;
	s3 =	sadd.s32 s4, s19  }
0x9c: {  	s7 =	simm.s32 $0x0;
	s20 =	sshll.u32 s5, $0x1;
	s5 =	sadd.s32 s21, s3  }
0x9d: {  	[timem:s7], [sflag:s22] =	dma.local [hbm:s5], s20  }
0x9e: {  	_ =	swait.ge [sflag:s22], s20  }
0x9f: {  	s4 =	ssub.s32 $0x0, s20;
	[sflag:s22] =	ssyncset.done $0x0  }
0xa0: {  	[sflag:s22] =	ssyncadd.s32 s4;
	_ =	sdelay $0x1  }
0xa1: {  	s23 =	simm.s32 $0x1B8B  }
0xa2: {  	_ =	swait.ge [sflag:s23], $0x1  }
0xa3: {  	[sflag:s23] =	ssyncset.done $0x0  }
0xa4: {  	s25 =	simm.s32 $0x1B8E;
	s24 =	sld [smem:$0x3FFE];
	[sflag:s23] =	ssyncadd.s32 $0xFFFFFFFF  }
0xa5: {  	s26 =	simm.s32 $execute0_lowered;
	[smem:$0x3FD2] =	sst s25  }
0xa6: {  	s5 =	sshll.u32 s26, $0x1;
	_ =	strace $0x80000049;
	[dreg:$0x1] =	wrdreg $0xFFFFFFFF  }
0xa7: {  	s28 =	simm.s32 $_size_execute0_lowered;
	s3 =	sadd.s32 s3, s5;
	[dreg:$0x0] =	wrdreg $0x0  }
0xa8: {  	s5 =	sshll.u32 s28, $0x1;
	[dreg:$0x2] =	wrdreg s3  }
0xa9: {  	[dreg:$0x3] =	wrdreg s5  }
0xaa: {  	[dreg:$0x4] =	wrdreg $0xC0  }
0xab: {  	_ =	task [dreg:s7], $0x5FFFF  }
0xac: {  	[dreg:$0x1] =	wrdreg $0xFFFFFFFF  }
0xad: {  	[dreg:$0x0] =	wrdreg $0x60  }
0xae: {  	[dreg:$0x2] =	wrdreg s2  }
0xaf: {  	[dreg:$0x3] =	wrdreg s24  }
0xb0: {  	[dreg:$0x4] =	wrdreg $0x8000  }
0xb1: {  	[dreg:$0x5] =	wrdreg $0x9  }
0xb2: {  	_ =	task.clear_ibuf [dreg:s7], $0x6FFFF;
	_ =	strace $0x90000049  }
0xb3: {  	s29 =	simm.s32 $0x9;
	_ =	strace $0x8000004B  }
0xb4: {  	_ =	swait.ge [sflag:s29], $0x1  }
0xb5: {  	[sflag:s29] =	ssyncadd.s32 $0xFFFFFFFF  }
0xb6: {  	_ =	strace $0x9000004B  }
0xb7: {  	_ =	sfence  }
0xb8: {  	s30 =	sld [smem:$0x0];
	_ =	sdelay $0x2  }
0xb9: {  	s31 =	sshll.u32 s1, $0xD;
	s1 =	sshrl.u32 s1, $0x2  }
0xba: {  	s3 =	sand.u32 $0x4000, s31;
	s1 =	sadd.s32 s1, s30  }
0xbb: {  	s0 =	sor.u32 s3, s0;
	s1 =	sshll.u32 s1, $0x11  }
0xbc: {  	s0 =	sor.u32 s1, s0  }
0xbd: {  	s0 =	sadd.s32 $0x8F2B, s0  }
0xbe: {  	[sflag:s0] =	ssyncadd.remote.s32 $0x1  }
0xbf: {  	_ =	sfence.sel $0xFFFF  }
0xc0: {  	[dreg:$0x0] =	wrdreg $0xFFFFFFFF;
	(pc) =	sbr.abs _section_cstart, $3  }
0xc1: {  	[dreg:$0x1] =	wrdreg $0xFFFFFFFF  }
0xc2: {  	_ =	task.clear_ibuf [dreg:s7], $0x2FFFF;
	_ =	strace $0x9FFFFFFF  }
0xc3: {  	(tm) =	ssettm $0x7FFFFFFF  }
tec
execute0_lowered:
.L_overlay_start_1:
0x0: {  	(tag) =	ssettag $0x1  }
0x1: {  	s1 =	rddreg [dreg:$0x0]  }
0x2: {  	s0 =	rddreg [dreg:$0x1]  }
0x3: {  	s3 =	srdreg.scid;
	s2 =	rddreg [dreg:$0x2];
	s4 =	simm.s32 $0x0  }
0x4: {  	s9 =	stileid.u32;
	s13 =	simm.s32 $0x6;
	s14 =	simm.s32 $0x400  }
0x5: {  	s15 =	simm.s32 $0x80;
	s16 =	simm.s32 $0x14800;
	s17 =	simm.s32 $0x18800  }
0x6: {  	s18 =	simm.s32 $0x1;
	s19 =	simm.s32 $0x3;
	s7 =	smul.u32 $0x14000, s9  }
0x7: {  	s28 =	simm.s32 $0x580;
	s29 =	simm.s32 $0x280;
	s20 =	smul.u32 $0x50000, s9  }
0x8: {  	s30 =	simm.s32 $0x600;
	s3 =	sand.u32 $0x1, s3;
	s22 =	smul.u32 $0x500, s9  }
0x9: {  	s31 =	simm.s32 $0x300;
	[smem:$0x7FF] =	sst s4;
	s5 =	smul.u32 $0x5000, s3  }
0xa: {  	s8 =	sadd.s32 $0x16200, s0;
	s24 =	sshll.u32 s9, $0x6;
	s6 =	smul.u32 $0x140000, s3  }
0xb: {  	_ =	strace $0x8000004A;
	[dreg:$0x5] =	wrdreg s8;
	s3 =	ssub.s32 $0x2, s3  }
0xc: {  	[dreg:$0x6] =	wrdreg s24;
	s8 =	simm.s32 $0x0;
	s21 =	sshrl.u32 s3, $0x1  }
0xd: {  	s23 =	sshrl.u32 s20, $0x2;
	s20 =	simm.s32 $0x100;
	s5 =	sadd.s32 s5, s0  }
0xe: {  	s6 =	sadd.s32 s7, s6;
	s3 =	ssub.s32 s3, s21;
	s7 =	sor.u32 $0x1C05, s24  }
0xf: {  	s21 =	simm.s32 $0x2;
	s24 =	simm.s32 $0x180;
	s6 =	sshrl.u32 s6, $0x3  }
0x10: {  	[dreg:$0x7] =	wrdreg s7;
	s5 =	sadd.s32 s22, s5;
	s25 =	smax.u32 s3, $0x1  }
0x11: {  	s22 =	simm.s32 $0x480;
	s3 =	simm.s32 $0x380;
	s7 =	simm.s32 $0x780  }
0x12: {  	s0 =	sadd.s32 s6, s0;
	s6 =	sadd.s32 s23, s2;
	[dreg:$0x9] =	wrdreg s25  }
0x13: {  	s26 =	sadd.s32 $0x2200, s5;
	s10 =	sadd.s32 $0xC200, s5;
	s23 =	simm.s32 $0x4  }
0x14: {  	s25 =	simm.s32 $0x500;
	s0 =	sadd.s32 $0x18A00, s0;
	[dreg:$0x4] =	wrdreg s26  }
0x15: {  	s5 =	simm.s32 $0x700;
	s9 =	sshrl.u32 s6, $0x3;
	[dreg:$0x8] =	wrdreg s0  }
0x16: {  	s26 =	simm.s32 $0x200;
	s0 =	simm.s32 $0x680;
	[dreg:$0xa] =	wrdreg s9  }
.LBB2_1:
0x17: {  	[dreg:$0xb] =	wrdreg s8  }
0x18: {  	s6 =	rddreg [dreg:$0x5]  }
0x19: {  	s12 =	rddreg [dreg:$0x7]  }
0x1a: {  	[spmem:s9], [sflag:s12] =	dma.local [hbm:s6], $0x2800  }
0x1b: {  	s9 =	simm.s32 $0x5  }
0x1c: {  	_ =	swait.ge [sflag:s9], $0x2800  }
0x1d: {  	[sflag:s9] =	ssyncset.done $0x0  }
0x1e: {  	[sflag:s9] =	ssyncadd.s32 $0xFFFFD800  }
0x1f: {  	s11 =	sadd.s32 $0x0, s10;
	[bflag:$0x0] =	sbarrier.arrive $0xFFFF  }
0x20: {  	[tilespmem:s4], [sflag:$0x6] =	stream.linear.gather [hbm4b:s11+s4], $0x400, $0x38;
	[tilespmem:$0x1C800] =	vst v63  }
0x21: {  	_ =	swait.ge [sflag:s13], $0x400  }
0x22: {  	s12 =	rddreg [dreg:$0x4];
	[sflag:s13] =	ssyncset.done $0x0  }
0x23: {  	[sflag:s13] =	ssyncadd.s32 $0xFFFFFC00;
	s6 =	sadd.s32 $0x0, s12  }
0x24: {  	[tilespmem:s14], [sflag:$0x6] =	stream.linear.gather [hbm4b:s6+s4], $0x400, $0x38;
	[tilespmem:$0x1C800] =	vst v63  }
0x25: {  	_ =	swait.ge [sflag:s13], $0x400  }
0x26: {  	[sflag:s13] =	ssyncset.done $0x0  }
0x27: {  	[sflag:s13] =	ssyncadd.s32 $0xFFFFFC00  }
0x28: {  	[tilespmem:s16], [sflag:$0x1] =	stream.indirect.gather [hbm4b:s1+s15], $0x80, s4, s15, $0xb8;
	[tilespmem:$0x1C800] =	vst v63  }
0x29: {  	_ = 	snop  }
0x2a: {  	[tilespmem:s17], [sflag:$0x2] =	stream.indirect.gather [hbm4b:s1+s15], $0x80, s15, s15, $0xb8;
	[tilespmem:$0x1C800] =	vst v63  }
0x2b: {  	_ =	swait.ge [sflag:s18], $0x4000  }
0x2c: {  	[sflag:s18] =	ssyncset.done $0x0  }
0x2d: {  	[sflag:s18] =	ssyncadd.s32 $0xFFFFC000  }
0x2e: {  	[spmem:s2] =	stream.indirect.scatter.add.f32 [tilespmem:s16], [sflag:$0x3], $0x80, s14, s15, $0xb8;
	[tilespmem:$0x1C800] =	vst v63  }
0x2f: {  	_ =	swait.ge [sflag:s19], $0x4000  }
0x30: {  	[sflag:s19] =	ssyncset.done $0x0  }
0x31: {  	[sflag:s19] =	ssyncadd.s32 $0xFFFFC000  }
0x32: {  	[tilespmem:s16], [sflag:$0x1] =	stream.indirect.gather [hbm4b:s1+s15], $0x80, s20, s15, $0xb8;
	[tilespmem:$0x1C800] =	vst v63  }
0x33: {  	_ =	swait.ge [sflag:s21], $0x4000  }
0x34: {  	[sflag:s21] =	ssyncset.done $0x0  }
0x35: {  	[sflag:s21] =	ssyncadd.s32 $0xFFFFC000  }
0x36: {  	[spmem:s2] =	stream.indirect.scatter.add.f32 [tilespmem:s17], [sflag:$0x4], $0x80, s22, s15, $0xb8;
	[tilespmem:$0x1C800] =	vst v63  }
0x37: {  	_ =	swait.ge [sflag:s23], $0x4000  }
0x38: {  	[sflag:s23] =	ssyncset.done $0x0  }
0x39: {  	[sflag:s23] =	ssyncadd.s32 $0xFFFFC000  }
0x3a: {  	[tilespmem:s17], [sflag:$0x2] =	stream.indirect.gather [hbm4b:s1+s15], $0x80, s24, s15, $0xb8;
	[tilespmem:$0x1C800] =	vst v63  }
0x3b: {  	_ =	swait.ge [sflag:s18], $0x4000  }
0x3c: {  	[sflag:s18] =	ssyncset.done $0x0  }
0x3d: {  	[sflag:s18] =	ssyncadd.s32 $0xFFFFC000  }
0x3e: {  	[spmem:s2] =	stream.indirect.scatter.add.f32 [tilespmem:s16], [sflag:$0x3], $0x80, s25, s15, $0xb8;
	[tilespmem:$0x1C800] =	vst v63  }
0x3f: {  	_ =	swait.ge [sflag:s19], $0x4000  }
0x40: {  	[sflag:s19] =	ssyncset.done $0x0  }
0x41: {  	[sflag:s19] =	ssyncadd.s32 $0xFFFFC000  }
0x42: {  	[tilespmem:s16], [sflag:$0x1] =	stream.indirect.gather [hbm4b:s1+s15], $0x80, s26, s15, $0xb8;
	[tilespmem:$0x1C800] =	vst v63  }
0x43: {  	_ =	swait.ge [sflag:s21], $0x4000  }
0x44: {  	[sflag:s21] =	ssyncset.done $0x0  }
0x45: {  	[sflag:s21] =	ssyncadd.s32 $0xFFFFC000  }
0x46: {  	[spmem:s2] =	stream.indirect.scatter.add.f32 [tilespmem:s17], [sflag:$0x4], $0x80, s28, s15, $0xb8;
	[tilespmem:$0x1C800] =	vst v63  }
0x47: {  	_ =	swait.ge [sflag:s23], $0x4000  }
0x48: {  	[sflag:s23] =	ssyncset.done $0x0  }
0x49: {  	[sflag:s23] =	ssyncadd.s32 $0xFFFFC000  }
0x4a: {  	[tilespmem:s17], [sflag:$0x2] =	stream.indirect.gather [hbm4b:s1+s15], $0x80, s29, s15, $0xb8;
	[tilespmem:$0x1C800] =	vst v63  }
0x4b: {  	_ =	swait.ge [sflag:s18], $0x4000  }
0x4c: {  	[sflag:s18] =	ssyncset.done $0x0  }
0x4d: {  	[sflag:s18] =	ssyncadd.s32 $0xFFFFC000  }
0x4e: {  	[spmem:s2] =	stream.indirect.scatter.add.f32 [tilespmem:s16], [sflag:$0x3], $0x80, s30, s15, $0xb8;
	[tilespmem:$0x1C800] =	vst v63  }
0x4f: {  	_ =	swait.ge [sflag:s19], $0x4000  }
0x50: {  	[sflag:s19] =	ssyncset.done $0x0  }
0x51: {  	[sflag:s19] =	ssyncadd.s32 $0xFFFFC000  }
0x52: {  	[tilespmem:s16], [sflag:$0x1] =	stream.indirect.gather [hbm4b:s1+s15], $0x80, s31, s15, $0xb8;
	[tilespmem:$0x1C800] =	vst v63  }
0x53: {  	_ =	swait.ge [sflag:s21], $0x4000  }
0x54: {  	[sflag:s21] =	ssyncset.done $0x0  }
0x55: {  	[sflag:s21] =	ssyncadd.s32 $0xFFFFC000  }
0x56: {  	[spmem:s2] =	stream.indirect.scatter.add.f32 [tilespmem:s17], [sflag:$0x4], $0x80, s0, s15, $0xb8;
	[tilespmem:$0x1C800] =	vst v63  }
0x57: {  	_ =	swait.ge [sflag:s23], $0x4000  }
0x58: {  	[sflag:s23] =	ssyncset.done $0x0  }
0x59: {  	[sflag:s23] =	ssyncadd.s32 $0xFFFFC000  }
0x5a: {  	[tilespmem:s17], [sflag:$0x2] =	stream.indirect.gather [hbm4b:s1+s15], $0x80, s3, s15, $0xb8;
	[tilespmem:$0x1C800] =	vst v63  }
0x5b: {  	_ =	swait.ge [sflag:s18], $0x4000  }
0x5c: {  	[sflag:s18] =	ssyncset.done $0x0  }
0x5d: {  	[sflag:s18] =	ssyncadd.s32 $0xFFFFC000  }
0x5e: {  	[spmem:s2] =	stream.indirect.scatter.add.f32 [tilespmem:s16], [sflag:$0x3], $0x80, s5, s15, $0xb8;
	[tilespmem:$0x1C800] =	vst v63  }
0x5f: {  	_ =	swait.ge [sflag:s21], $0x4000  }
0x60: {  	[sflag:s21] =	ssyncset.done $0x0  }
0x61: {  	[sflag:s21] =	ssyncadd.s32 $0xFFFFC000  }
0x62: {  	[spmem:s2] =	stream.indirect.scatter.add.f32 [tilespmem:s17], [sflag:$0x4], $0x80, s7, s15, $0xb8;
	[tilespmem:$0x1C800] =	vst v63  }
0x63: {  	_ =	swait.ge [sflag:s19], $0x4000  }
0x64: {  	[sflag:s19] =	ssyncset.done $0x0  }
0x65: {  	[sflag:s19] =	ssyncadd.s32 $0xFFFFC000  }
0x66: {  	_ =	swait.ge [sflag:s23], $0x4000  }
0x67: {  	s9 =	simm.s32 $0x80;
	s6 =	simm.s32 $0x100;
	[sflag:s23] =	ssyncset.done $0x0  }
.LBB2_2:
0x68: {  	s11 =	sadd.s32 s9, s10;
	[sflag:s23] =	ssyncadd.s32 $0xFFFFC000  }
0x69: {  	[tilespmem:s4], [sflag:$0x6] =	stream.linear.gather [hbm4b:s11+s4], $0x400, $0x38;
	[tilespmem:$0x1C800] =	vst v63  }
0x6a: {  	s8 =	smov.u32 s6;
	_ =	swait.ge [sflag:s13], $0x400  }
0x6b: {  	s12 =	sadd.s32 $0x80, s6;
	s11 =	rddreg [dreg:$0x4];
	[sflag:s13] =	ssyncset.done $0x0  }
0x6c: {  	p0 =	sne.s32 s6, $0x480;
	[sflag:s13] =	ssyncadd.s32 $0xFFFFFC00;
	s6 =	sadd.s32 s9, s11  }
0x6d: {  	[tilespmem:s14], [sflag:$0x6] =	stream.linear.gather [hbm4b:s6+s4], $0x400, $0x38;
	[tilespmem:$0x1C800] =	vst v63  }
0x6e: {  	_ =	swait.ge [sflag:s13], $0x400  }
0x6f: {  	[sflag:s13] =	ssyncset.done $0x0  }
0x70: {  	[sflag:s13] =	ssyncadd.s32 $0xFFFFFC00  }
0x71: {  	[tilespmem:s16], [sflag:$0x1] =	stream.indirect.gather [hbm4b:s1+s15], $0x80, s4, s15, $0xb8;
	[tilespmem:$0x1C800] =	vst v63  }
0x72: {  	_ = 	snop  }
0x73: {  	[tilespmem:s17], [sflag:$0x2] =	stream.indirect.gather [hbm4b:s1+s15], $0x80, s15, s15, $0xb8;
	[tilespmem:$0x1C800] =	vst v63  }
0x74: {  	_ =	swait.ge [sflag:s18], $0x4000  }
0x75: {  	[sflag:s18] =	ssyncset.done $0x0  }
0x76: {  	[sflag:s18] =	ssyncadd.s32 $0xFFFFC000  }
0x77: {  	[spmem:s2] =	stream.indirect.scatter.add.f32 [tilespmem:s16], [sflag:$0x3], $0x80, s14, s15, $0xb8;
	[tilespmem:$0x1C800] =	vst v63  }
0x78: {  	_ =	swait.ge [sflag:s19], $0x4000  }
0x79: {  	[sflag:s19] =	ssyncset.done $0x0  }
0x7a: {  	[sflag:s19] =	ssyncadd.s32 $0xFFFFC000  }
0x7b: {  	[tilespmem:s16], [sflag:$0x1] =	stream.indirect.gather [hbm4b:s1+s15], $0x80, s20, s15, $0xb8;
	[tilespmem:$0x1C800] =	vst v63  }
0x7c: {  	_ =	swait.ge [sflag:s21], $0x4000  }
0x7d: {  	[sflag:s21] =	ssyncset.done $0x0  }
0x7e: {  	[sflag:s21] =	ssyncadd.s32 $0xFFFFC000  }
0x7f: {  	[spmem:s2] =	stream.indirect.scatter.add.f32 [tilespmem:s17], [sflag:$0x4], $0x80, s22, s15, $0xb8;
	[tilespmem:$0x1C800] =	vst v63  }
0x80: {  	_ =	swait.ge [sflag:s23], $0x4000  }
0x81: {  	[sflag:s23] =	ssyncset.done $0x0  }
0x82: {  	[sflag:s23] =	ssyncadd.s32 $0xFFFFC000  }
0x83: {  	[tilespmem:s17], [sflag:$0x2] =	stream.indirect.gather [hbm4b:s1+s15], $0x80, s24, s15, $0xb8;
	[tilespmem:$0x1C800] =	vst v63  }
0x84: {  	_ =	swait.ge [sflag:s18], $0x4000  }
0x85: {  	[sflag:s18] =	ssyncset.done $0x0  }
0x86: {  	[sflag:s18] =	ssyncadd.s32 $0xFFFFC000  }
0x87: {  	[spmem:s2] =	stream.indirect.scatter.add.f32 [tilespmem:s16], [sflag:$0x3], $0x80, s25, s15, $0xb8;
	[tilespmem:$0x1C800] =	vst v63  }
0x88: {  	_ =	swait.ge [sflag:s19], $0x4000  }
0x89: {  	[sflag:s19] =	ssyncset.done $0x0  }
0x8a: {  	[sflag:s19] =	ssyncadd.s32 $0xFFFFC000  }
0x8b: {  	[tilespmem:s16], [sflag:$0x1] =	stream.indirect.gather [hbm4b:s1+s15], $0x80, s26, s15, $0xb8;
	[tilespmem:$0x1C800] =	vst v63  }
0x8c: {  	_ =	swait.ge [sflag:s21], $0x4000  }
0x8d: {  	[sflag:s21] =	ssyncset.done $0x0  }
0x8e: {  	[sflag:s21] =	ssyncadd.s32 $0xFFFFC000  }
0x8f: {  	[spmem:s2] =	stream.indirect.scatter.add.f32 [tilespmem:s17], [sflag:$0x4], $0x80, s28, s15, $0xb8;
	[tilespmem:$0x1C800] =	vst v63  }
0x90: {  	_ =	swait.ge [sflag:s23], $0x4000  }
0x91: {  	[sflag:s23] =	ssyncset.done $0x0  }
0x92: {  	[sflag:s23] =	ssyncadd.s32 $0xFFFFC000  }
0x93: {  	[tilespmem:s17], [sflag:$0x2] =	stream.indirect.gather [hbm4b:s1+s15], $0x80, s29, s15, $0xb8;
	[tilespmem:$0x1C800] =	vst v63  }
0x94: {  	_ =	swait.ge [sflag:s18], $0x4000  }
0x95: {  	[sflag:s18] =	ssyncset.done $0x0  }
0x96: {  	[sflag:s18] =	ssyncadd.s32 $0xFFFFC000  }
0x97: {  	[spmem:s2] =	stream.indirect.scatter.add.f32 [tilespmem:s16], [sflag:$0x3], $0x80, s30, s15, $0xb8;
	[tilespmem:$0x1C800] =	vst v63  }
0x98: {  	_ =	swait.ge [sflag:s19], $0x4000  }
0x99: {  	[sflag:s19] =	ssyncset.done $0x0  }
0x9a: {  	[sflag:s19] =	ssyncadd.s32 $0xFFFFC000  }
0x9b: {  	[tilespmem:s16], [sflag:$0x1] =	stream.indirect.gather [hbm4b:s1+s15], $0x80, s31, s15, $0xb8;
	[tilespmem:$0x1C800] =	vst v63  }
0x9c: {  	_ =	swait.ge [sflag:s21], $0x4000  }
0x9d: {  	[sflag:s21] =	ssyncset.done $0x0  }
0x9e: {  	[sflag:s21] =	ssyncadd.s32 $0xFFFFC000  }
0x9f: {  	[spmem:s2] =	stream.indirect.scatter.add.f32 [tilespmem:s17], [sflag:$0x4], $0x80, s0, s15, $0xb8;
	[tilespmem:$0x1C800] =	vst v63  }
0xa0: {  	_ =	swait.ge [sflag:s23], $0x4000  }
0xa1: {  	[sflag:s23] =	ssyncset.done $0x0  }
0xa2: {  	[sflag:s23] =	ssyncadd.s32 $0xFFFFC000  }
0xa3: {  	[tilespmem:s17], [sflag:$0x2] =	stream.indirect.gather [hbm4b:s1+s15], $0x80, s3, s15, $0xb8;
	[tilespmem:$0x1C800] =	vst v63  }
0xa4: {  	_ =	swait.ge [sflag:s18], $0x4000  }
0xa5: {  	[sflag:s18] =	ssyncset.done $0x0  }
0xa6: {  	[sflag:s18] =	ssyncadd.s32 $0xFFFFC000  }
0xa7: {  	[spmem:s2] =	stream.indirect.scatter.add.f32 [tilespmem:s16], [sflag:$0x3], $0x80, s5, s15, $0xb8;
	[tilespmem:$0x1C800] =	vst v63  }
0xa8: {  	_ =	swait.ge [sflag:s21], $0x4000  }
0xa9: {  	[sflag:s21] =	ssyncset.done $0x0  }
0xaa: {  	[sflag:s21] =	ssyncadd.s32 $0xFFFFC000  }
0xab: {  	[spmem:s2] =	stream.indirect.scatter.add.f32 [tilespmem:s17], [sflag:$0x4], $0x80, s7, s15, $0xb8;
	[tilespmem:$0x1C800] =	vst v63  }
.Ltmp0:
0xac: {  	_ =	swait.ge [sflag:s19], $0x4000;
	(pc) =	sbr.rel @p0 .LBB2_2-.Ltmp0, $4  }
0xad: {  	[sflag:s19] =	ssyncset.done $0x0  }
0xae: {  	[sflag:s19] =	ssyncadd.s32 $0xFFFFC000  }
0xaf: {  	_ =	swait.ge [sflag:s23], $0x4000  }
0xb0: {  	s9 =	smov.u32 s8;
	s6 =	smov.u32 s12;
	[sflag:s23] =	ssyncset.done $0x0  }
0xb1: {  	s6 =	sadd.s32 s9, s10;
	[sflag:s23] =	ssyncadd.s32 $0xFFFFC000  }
0xb2: {  	[tilespmem:s4], [sflag:$0x6] =	stream.linear.gather [hbm4b:s6+s4], $0x400, $0x38;
	[tilespmem:$0x1C800] =	vst v63  }
0xb3: {  	_ =	swait.ge [sflag:s13], $0x400  }
0xb4: {  	s8 =	rddreg [dreg:$0x4];
	[sflag:s13] =	ssyncset.done $0x0  }
0xb5: {  	s6 =	sadd.s32 s9, s8;
	[sflag:s13] =	ssyncadd.s32 $0xFFFFFC00  }
0xb6: {  	[tilespmem:s14], [sflag:$0x6] =	stream.linear.gather [hbm4b:s6+s4], $0x400, $0x38;
	[tilespmem:$0x1C800] =	vst v63  }
0xb7: {  	_ =	swait.ge [sflag:s13], $0x400  }
0xb8: {  	[sflag:s13] =	ssyncset.done $0x0  }
0xb9: {  	[sflag:s13] =	ssyncadd.s32 $0xFFFFFC00  }
0xba: {  	[tilespmem:s16], [sflag:$0x1] =	stream.indirect.gather [hbm4b:s1+s15], $0x80, s4, s15, $0xb8;
	[tilespmem:$0x1C800] =	vst v63  }
0xbb: {  	_ = 	snop  }
0xbc: {  	[tilespmem:s17], [sflag:$0x2] =	stream.indirect.gather [hbm4b:s1+s15], $0x80, s15, s15, $0xb8;
	[tilespmem:$0x1C800] =	vst v63  }
0xbd: {  	_ =	swait.ge [sflag:s18], $0x4000  }
0xbe: {  	[sflag:s18] =	ssyncset.done $0x0  }
0xbf: {  	[sflag:s18] =	ssyncadd.s32 $0xFFFFC000  }
0xc0: {  	[spmem:s2] =	stream.indirect.scatter.add.f32 [tilespmem:s16], [sflag:$0x3], $0x80, s14, s15, $0xb8;
	[tilespmem:$0x1C800] =	vst v63  }
0xc1: {  	_ =	swait.ge [sflag:s19], $0x4000  }
0xc2: {  	[sflag:s19] =	ssyncset.done $0x0  }
0xc3: {  	[sflag:s19] =	ssyncadd.s32 $0xFFFFC000  }
0xc4: {  	[tilespmem:s16], [sflag:$0x1] =	stream.indirect.gather [hbm4b:s1+s15], $0x80, s20, s15, $0xb8;
	[tilespmem:$0x1C800] =	vst v63  }
0xc5: {  	_ =	swait.ge [sflag:s21], $0x4000  }
0xc6: {  	[sflag:s21] =	ssyncset.done $0x0  }
0xc7: {  	[sflag:s21] =	ssyncadd.s32 $0xFFFFC000  }
0xc8: {  	[spmem:s2] =	stream.indirect.scatter.add.f32 [tilespmem:s17], [sflag:$0x4], $0x80, s22, s15, $0xb8;
	[tilespmem:$0x1C800] =	vst v63  }
0xc9: {  	_ =	swait.ge [sflag:s23], $0x4000  }
0xca: {  	[sflag:s23] =	ssyncset.done $0x0  }
0xcb: {  	[sflag:s23] =	ssyncadd.s32 $0xFFFFC000  }
0xcc: {  	[tilespmem:s17], [sflag:$0x2] =	stream.indirect.gather [hbm4b:s1+s15], $0x80, s24, s15, $0xb8;
	[tilespmem:$0x1C800] =	vst v63  }
0xcd: {  	_ =	swait.ge [sflag:s18], $0x4000  }
0xce: {  	[sflag:s18] =	ssyncset.done $0x0  }
0xcf: {  	[sflag:s18] =	ssyncadd.s32 $0xFFFFC000  }
0xd0: {  	[spmem:s2] =	stream.indirect.scatter.add.f32 [tilespmem:s16], [sflag:$0x3], $0x80, s25, s15, $0xb8;
	[tilespmem:$0x1C800] =	vst v63  }
0xd1: {  	_ =	swait.ge [sflag:s19], $0x4000  }
0xd2: {  	[sflag:s19] =	ssyncset.done $0x0  }
0xd3: {  	[sflag:s19] =	ssyncadd.s32 $0xFFFFC000  }
0xd4: {  	[tilespmem:s16], [sflag:$0x1] =	stream.indirect.gather [hbm4b:s1+s15], $0x80, s26, s15, $0xb8;
	[tilespmem:$0x1C800] =	vst v63  }
0xd5: {  	_ =	swait.ge [sflag:s21], $0x4000  }
0xd6: {  	[sflag:s21] =	ssyncset.done $0x0  }
0xd7: {  	[sflag:s21] =	ssyncadd.s32 $0xFFFFC000  }
0xd8: {  	[spmem:s2] =	stream.indirect.scatter.add.f32 [tilespmem:s17], [sflag:$0x4], $0x80, s28, s15, $0xb8;
	[tilespmem:$0x1C800] =	vst v63  }
0xd9: {  	_ =	swait.ge [sflag:s23], $0x4000  }
0xda: {  	[sflag:s23] =	ssyncset.done $0x0  }
0xdb: {  	[sflag:s23] =	ssyncadd.s32 $0xFFFFC000  }
0xdc: {  	[tilespmem:s17], [sflag:$0x2] =	stream.indirect.gather [hbm4b:s1+s15], $0x80, s29, s15, $0xb8;
	[tilespmem:$0x1C800] =	vst v63  }
0xdd: {  	_ =	swait.ge [sflag:s18], $0x4000  }
0xde: {  	[sflag:s18] =	ssyncset.done $0x0  }
0xdf: {  	[sflag:s18] =	ssyncadd.s32 $0xFFFFC000  }
0xe0: {  	[spmem:s2] =	stream.indirect.scatter.add.f32 [tilespmem:s16], [sflag:$0x3], $0x80, s30, s15, $0xb8;
	[tilespmem:$0x1C800] =	vst v63  }
0xe1: {  	_ =	swait.ge [sflag:s19], $0x4000  }
0xe2: {  	[sflag:s19] =	ssyncset.done $0x0  }
0xe3: {  	[sflag:s19] =	ssyncadd.s32 $0xFFFFC000  }
0xe4: {  	[tilespmem:s16], [sflag:$0x1] =	stream.indirect.gather [hbm4b:s1+s15], $0x80, s31, s15, $0xb8;
	[tilespmem:$0x1C800] =	vst v63  }
0xe5: {  	_ =	swait.ge [sflag:s21], $0x4000  }
0xe6: {  	[sflag:s21] =	ssyncset.done $0x0  }
0xe7: {  	[sflag:s21] =	ssyncadd.s32 $0xFFFFC000  }
0xe8: {  	[spmem:s2] =	stream.indirect.scatter.add.f32 [tilespmem:s17], [sflag:$0x4], $0x80, s0, s15, $0xb8;
	[tilespmem:$0x1C800] =	vst v63  }
0xe9: {  	_ =	swait.ge [sflag:s23], $0x4000  }
0xea: {  	[sflag:s23] =	ssyncset.done $0x0  }
0xeb: {  	[sflag:s23] =	ssyncadd.s32 $0xFFFFC000  }
0xec: {  	[tilespmem:s17], [sflag:$0x2] =	stream.indirect.gather [hbm4b:s1+s15], $0x80, s3, s15, $0xb8;
	[tilespmem:$0x1C800] =	vst v63  }
0xed: {  	_ =	swait.ge [sflag:s18], $0x4000  }
0xee: {  	[sflag:s18] =	ssyncset.done $0x0  }
0xef: {  	[sflag:s18] =	ssyncadd.s32 $0xFFFFC000  }
0xf0: {  	[spmem:s2] =	stream.indirect.scatter.add.f32 [tilespmem:s16], [sflag:$0x3], $0x80, s5, s15, $0xb8;
	[tilespmem:$0x1C800] =	vst v63  }
0xf1: {  	_ =	swait.ge [sflag:s21], $0x4000  }
0xf2: {  	[sflag:s21] =	ssyncset.done $0x0  }
0xf3: {  	[sflag:s21] =	ssyncadd.s32 $0xFFFFC000  }
0xf4: {  	[spmem:s2] =	stream.indirect.scatter.add.f32 [tilespmem:s17], [sflag:$0x4], $0x80, s7, s15, $0xb8;
	[tilespmem:$0x1C800] =	vst v63  }
0xf5: {  	_ =	swait.ge [sflag:s19], $0x4000  }
0xf6: {  	[sflag:s19] =	ssyncset.done $0x0  }
0xf7: {  	[sflag:s19] =	ssyncadd.s32 $0xFFFFC000  }
0xf8: {  	_ =	swait.ge [sflag:s23], $0x4000  }
0xf9: {  	[sflag:s23] =	ssyncset.done $0x0  }
0xfa: {  	[sflag:s23] =	ssyncadd.s32 $0xFFFFC000  }
0xfb: {  	[bflag:$0x0] =	sbarrier.arrive $0xFFFF  }
0xfc: {  	s9 =	rddreg [dreg:$0x6]  }
0xfd: {  	s8 =	rddreg [dreg:$0x8]  }
0xfe: {  	s6 =	sor.u32 $0x1C06, s9;
	s9 =	rddreg [dreg:$0xa]  }
0xff: {  	[hbm:s8], [sflag:s6] =	dma.local [spmem:s9], $0x2800  }
0x100: {  	_ =	swait.ge [sflag:s13], $0x2800  }
0x101: {  	s11 =	rddreg [dreg:$0xb]  }
0x102: {  	s12 =	rddreg [dreg:$0x9];
	s8 =	sadd.s32 $0x1, s11  }
0x103: {  	p0 =	sne.s32 s8, s12  }
.Ltmp1:
0x104: {  	_ = 	snop;
	(pc) =	sbr.rel @p0 .LBB2_1-.Ltmp1, $3  }
0x105: {  	_ =	sdelay $0x1  }
0x106: {  	[sflag:s13] =	ssyncset.done $0x0  }
0x107: {  	[sflag:s13] =	ssyncadd.s32 $0xFFFFD800  }
0x108: {  	_ =	sfence.sel $0x180000  }
0x109: {  	[bflag:$0x0] =	sbarrier.arrive $0xFFFF  }
0x10a: {  	_ =	strace $0x9000004A  }
0x10b: {  	s0 =	stileid.u32;
	[bflag:$0x2] =	sbarrier.arrive $0xFFFF  }
0x10c: {  	p0 =	sne.s32 s0, $0x0;
	s0 =	rddreg [dreg:$0x3]  }
0x10d: {  	s0 =	sadd.s32 @!p0 $0x100000, s0  }
0x10e: {  	[sflag:s0] =	ssyncadd.tile.s32 @!p0 $0x1;
	_ =	shalt  }
.Lfunc_end2:
_tile_overlayer_lowered:
.L_overlay_start_2:
0x10f: {  	(tag) =	ssettag $0x2  }
0x110: {  	s0 =	rddreg [dreg:$0x0];
	s2 =	stileid.u32  }
0x111: {  	s1 =	rddreg [dreg:$0x1];
	p0 =	sne.s32 s2, $0x0  }
0x112: {  	s3 =	rddreg [dreg:$0x2];
	[bflag:$0x3] =	sbarrier.arrive $0xFFFF;
	s2 =	simm.s32 @!p0 $0x1C06  }
0x113: {  	[timem:s3], [sflag:s2] =	dma.local @!p0 [hbm:s0], s1  }
0x114: {  	s0 =	simm.s32 @!p0 $0x6  }
0x115: {  	_ =	swait.ge @!p0 [sflag:s0], s1  }
0x116: {  	s1 =	ssub.s32 @!p0 $0x0, s1;
	[sflag:s0] =	ssyncset.done @!p0 $0x0  }
0x117: {  	[sflag:s0] =	ssyncadd.s32 @!p0 s1  }
0x118: {  	[bflag:$0x3] =	sbarrier.arrive $0xFFFF  }
0x119: {  	_ =	shalt  }

</sc_bundles>
